<compile_context>
chip_gen: v7x
topology: tpu7x:2x2x1
jax: 0.10.2.dev20260603
libtpu: 0.0.44.dev20260713+nightly
codegen_flags: <defaults>
</compile_context>

<pallas_src>
import functools

import jax
import jax.numpy as jnp
from jax import lax
from jax.experimental import pallas as pl
from jax.experimental.pallas import tpu as pltpu
from jax.experimental.pallas import tpu_sc as plsc

N = 10000
E = 320000
D = 128

NP = 10240
NC = 2
NS = 16
CHUNK = 128
KT = 160
KA = 80
KW = 80
EP = NS * KT * CHUNK
RPT = NP // NS

BLK = 512
NBLK = NP // BLK

_mesh = plsc.VectorSubcoreMesh(core_axis_name="c", subcore_axis_name="s")



@functools.partial(
    pl.kernel,
    out_type=jax.ShapeDtypeStruct((NC, NP), jnp.float32),
    mesh=_mesh,
    scratch_types=[
        pltpu.VMEM((KW, CHUNK), jnp.int32),
        pltpu.VMEM((CHUNK,), jnp.float32),
        pltpu.VMEM((RPT,), jnp.float32),
        pltpu.VMEM_SHARED((NP,), jnp.float32),
    ],
)
def _sc_degree(col_hbm, deg_hbm, colbuf, ones_v, zero_v, acc):
    c = lax.axis_index("c")
    s = lax.axis_index("s")

    ofs = jnp.where(c == 0, 0, KA)
    cnt = jnp.where(c == 0, KA, KT - KA)
    pltpu.sync_copy(col_hbm.at[s, pl.ds(ofs, KW)], colbuf)

    def fill(j, carry):
        ones_v[pl.ds(j * 16, 16)] = jnp.full((16,), 1.0, jnp.float32)
        return carry
    lax.fori_loop(0, CHUNK // 16, fill, 0)

    def zfill(j, carry):
        zero_v[pl.ds(j * 16, 16)] = jnp.zeros((16,), jnp.float32)
        return carry
    lax.fori_loop(0, RPT // 16, zfill, 0)

    pltpu.sync_copy(zero_v, acc.at[pl.ds(s * RPT, RPT)])
    plsc.subcore_barrier()

    def step(j, carry):
        pltpu.sync_copy(ones_v, acc.at[colbuf.at[j]], add=True)
        return carry
    lax.fori_loop(0, cnt, step, 0)

    plsc.subcore_barrier()
    pltpu.sync_copy(acc.at[pl.ds(s * RPT, RPT)],
                    deg_hbm.at[c, pl.ds(s * RPT, RPT)])


@functools.partial(
    pl.kernel,
    out_type=jax.ShapeDtypeStruct((NC, NP, D), jnp.float32),
    mesh=_mesh,
    scratch_types=[
        pltpu.VMEM((KW, CHUNK), jnp.int32),
        pltpu.VMEM((KW, CHUNK), jnp.int32),
        pltpu.VMEM((CHUNK, D), jnp.float32),
        pltpu.VMEM_SHARED((NP, D), jnp.float32),
        pltpu.SemaphoreType.DMA,
        pltpu.SemaphoreType.DMA,
    ],
)
def _sc_scatter(hp_hbm, row_hbm, col_hbm, z_hbm, out_hbm,
                rowbuf, colbuf, msg0, acc, sem0, semz):
    c = lax.axis_index("c")
    s = lax.axis_index("s")

    ofs = jnp.where(c == 0, 0, KA)
    cnt = jnp.where(c == 0, KA, KT - KA)
    zinit = pltpu.async_copy(z_hbm.at[pl.ds(s * RPT, RPT)],
                             acc.at[pl.ds(s * RPT, RPT)], semz)
    pltpu.sync_copy(row_hbm.at[s, pl.ds(ofs, KW)], rowbuf)
    pltpu.sync_copy(col_hbm.at[s, pl.ds(ofs, KW)], colbuf)
    zinit.wait()
    plsc.subcore_barrier()

    def step(j, carry):
        pltpu.async_copy(hp_hbm.at[rowbuf.at[j]], msg0, sem0).wait()
        pltpu.sync_copy(msg0, acc.at[colbuf.at[j]], add=True)
        return carry
    lax.fori_loop(0, cnt, step, 0)

    plsc.subcore_barrier()
    pltpu.sync_copy(acc.at[pl.ds(s * RPT, RPT)],
                    out_hbm.at[c, pl.ds(s * RPT, RPT)])



def _mm_body(x_ref, w_ref, out_ref):
    out_ref[...] = jnp.dot(x_ref[...], w_ref[...],
                           preferred_element_type=jnp.float32)


def _tc_mm(x, w):
    return pl.pallas_call(
        _mm_body,
        grid=(NBLK,),
        in_specs=[
            pl.BlockSpec((BLK, D), lambda i: (i, 0)),
            pl.BlockSpec((D, D), lambda i: (0, 0)),
        ],
        out_specs=pl.BlockSpec((BLK, D), lambda i: (i, 0)),
        out_shape=jax.ShapeDtypeStruct((NP, D), jnp.float32),
    )(x, w)


def _scale_body(h_ref, d0_ref, d1_ref, hp_ref, dinv_ref):
    dinv = lax.rsqrt(d0_ref[...] + d1_ref[...] + 1.0)
    dinv_ref[...] = dinv
    hp_ref[...] = h_ref[...] * dinv


def _tc_scale(h, d0, d1):
    return pl.pallas_call(
        _scale_body,
        grid=(NBLK,),
        in_specs=[
            pl.BlockSpec((BLK, D), lambda i: (i, 0)),
            pl.BlockSpec((BLK, 1), lambda i: (i, 0)),
            pl.BlockSpec((BLK, 1), lambda i: (i, 0)),
        ],
        out_specs=[
            pl.BlockSpec((BLK, D), lambda i: (i, 0)),
            pl.BlockSpec((BLK, 1), lambda i: (i, 0)),
        ],
        out_shape=[
            jax.ShapeDtypeStruct((NP, D), jnp.float32),
            jax.ShapeDtypeStruct((NP, 1), jnp.float32),
        ],
    )(h, d0, d1)


def _layer_body(s0_ref, s1_ref, hp_ref, dinv_ref, b_ref, w_ref, out_ref):
    a = s0_ref[...] + s1_ref[...] + hp_ref[...]
    a = jnp.maximum(a * dinv_ref[...] + b_ref[...], 0.0)
    h = jnp.dot(a, w_ref[...], preferred_element_type=jnp.float32)
    out_ref[...] = h * dinv_ref[...]


def _tc_layer(s0, s1, hp, dinv_col, b, w):
    return pl.pallas_call(
        _layer_body,
        grid=(NBLK,),
        in_specs=[
            pl.BlockSpec((BLK, D), lambda i: (i, 0)),
            pl.BlockSpec((BLK, D), lambda i: (i, 0)),
            pl.BlockSpec((BLK, D), lambda i: (i, 0)),
            pl.BlockSpec((BLK, 1), lambda i: (i, 0)),
            pl.BlockSpec((1, D), lambda i: (0, 0)),
            pl.BlockSpec((D, D), lambda i: (0, 0)),
        ],
        out_specs=pl.BlockSpec((BLK, D), lambda i: (i, 0)),
        out_shape=jax.ShapeDtypeStruct((NP, D), jnp.float32),
    )(s0, s1, hp, dinv_col, b, w)


def _final_body(s0_ref, s1_ref, hp_ref, dinv_ref, b_ref, out_ref):
    a = s0_ref[...] + s1_ref[...] + hp_ref[...]
    out_ref[...] = jnp.maximum(a * dinv_ref[...] + b_ref[...], 0.0)


def _tc_final(s0, s1, hp, dinv_col, b):
    return pl.pallas_call(
        _final_body,
        grid=(N // 400,),
        in_specs=[
            pl.BlockSpec((400, D), lambda i: (i, 0)),
            pl.BlockSpec((400, D), lambda i: (i, 0)),
            pl.BlockSpec((400, D), lambda i: (i, 0)),
            pl.BlockSpec((400, 1), lambda i: (i, 0)),
            pl.BlockSpec((1, D), lambda i: (0, 0)),
        ],
        out_specs=pl.BlockSpec((400, D), lambda i: (i, 0)),
        out_shape=jax.ShapeDtypeStruct((N, D), jnp.float32),
    )(s0, s1, hp, dinv_col, b)



def kernel(x, edge_index, W1, b1, W2, b2):
    pad_e = EP - E
    row = jnp.concatenate(
        [edge_index[0], N + 16 + (jnp.arange(pad_e, dtype=jnp.int32) % 16)]
    ).reshape(NS, KT, CHUNK)
    col = jnp.concatenate(
        [edge_index[1], N + (jnp.arange(pad_e, dtype=jnp.int32) % 16)]
    ).reshape(NS, KT, CHUNK)

    x_pad = jnp.concatenate([x, jnp.zeros((NP - N, D), x.dtype)], axis=0)
    zeros2 = jnp.zeros((NP, D), jnp.float32)

    deg2 = _sc_degree(col)
    h1r = _tc_mm(x_pad, W1)
    h1, dinv_col = _tc_scale(h1r, deg2[0].reshape(NP, 1),
                             deg2[1].reshape(NP, 1))
    s1 = _sc_scatter(h1, row, col, zeros2)
    h2 = _tc_layer(s1[0], s1[1], h1, dinv_col, b1.reshape(1, D), W2)
    s2 = _sc_scatter(h2, row, col, zeros2)
    return _tc_final(s2[0], s2[1], h2, dinv_col, b2.reshape(1, D))

# --- scband reference (transcript-rebuilt; emitter-appended) ---
"""Pipeline reference for scband-gcn-41729902247980 (READ-ONLY COPY).

The authoritative reference and input builder live on the scoring server;
editing this copy changes nothing except your own understanding.
"""

import jax, jax.numpy as jnp
import numpy as np

N = 10000
E = 320000
D = 128


def gcn_conv(x, row, col, W, b, num_nodes):
    # PyG GCNConv with default normalize=True, add_self_loops already applied to row/col
    ew = jnp.ones(row.shape[0], dtype=x.dtype)
    deg = jnp.zeros((num_nodes,), dtype=x.dtype).at[col].add(ew)
    dinv = jnp.where(deg > 0, 1.0 / jnp.sqrt(deg), 0.0)
    norm = dinv[row] * ew * dinv[col]
    h = x @ W
    msg = h[row] * norm[:, None]
    out = jnp.zeros((num_nodes, W.shape[1]), dtype=x.dtype).at[col].add(msg)
    return out + b


def setup_inputs(seed: int = 0):
    key = jax.random.key(seed)
    ks = jax.random.split(key, 6)
    x = jax.random.normal(ks[0], (N, D), dtype=jnp.float32)
    edge_index = jax.random.randint(ks[1], (2, E), 0, N, dtype=jnp.int32)
    W1 = jax.random.normal(ks[2], (D, D), dtype=jnp.float32) * 0.05
    b1 = jnp.zeros((D,), dtype=jnp.float32)
    W2 = jax.random.normal(ks[3], (D, D), dtype=jnp.float32) * 0.05
    b2 = jnp.zeros((D,), dtype=jnp.float32)
    return {"x": x, "edge_index": edge_index, "W1": W1, "b1": b1, "W2": W2, "b2": b2}


def reference(x, edge_index, W1, b1, W2, b2):
    # add self loops (fill value 1) as in PyG GCNConv
    loop = jnp.arange(N, dtype=edge_index.dtype)
    row = jnp.concatenate([edge_index[0], loop])
    col = jnp.concatenate([edge_index[1], loop])
    # layer 1 (relu applied since l != depth always holds in the original code)
    h = gcn_conv(x, row, col, W1, b1, N)
    h = jax.nn.relu(h)
    # dropout is identity in eval mode
    # layer 2
    h = gcn_conv(h, row, col, W2, b2, N)
    h = jax.nn.relu(h)
    return h

if __name__ == "__main__":
    import jax
    _d = setup_inputs()
    print(jax.jit(kernel)(*tuple(_d.values())))

</pallas_src>

<mosaic_0001>
#map = affine_map<(d0, d1) -> (0, 0, 0)>
#map1 = affine_map<(d0, d1) -> (0, 0)>
module attributes {stable_mosaic.version = 14 : i64} {
  func.func @_sc_degree(%arg0: i32, %arg1: i32, %arg2: memref<16x160x128xi32, #tpu.memory_space<hbm>>, %arg3: memref<2x10240xf32, #tpu.memory_space<hbm>>, %arg4: memref<80x128xi32, #tpu.memory_space<vmem>>, %arg5: memref<128xf32, #tpu.memory_space<vmem>>, %arg6: memref<640xf32, #tpu.memory_space<vmem>>, %arg7: memref<10240xf32, #tpu.memory_space<vmem_shared>>) attributes {dimension_semantics = [#tpu.dimension_semantics<core_parallel>, #tpu.dimension_semantics<subcore_parallel>], iteration_bounds = array<i64: 2, 16>, scalar_prefetch = 0 : i64, scratch_operands = 4 : i64, tpu.core_type = #tpu.core_type<sc_vector_subcore>, window_params = [{transform_indices = #map}, {transform_indices = #map1}]} {
    %eq3A = arith.constant 0 : i32
    %eq3A_0 = arith.cmpi eq, %arg0, %eq3A : i32
    %jit3A = arith.constant 0 : i32
    %jit3A_1 = arith.constant 80 : i32
    %select_n3A = arith.select %eq3A_0, %jit3A, %jit3A_1 : i32
    %eq3A_2 = arith.constant 0 : i32
    %eq3A_3 = arith.cmpi eq, %arg0, %eq3A_2 : i32
    %jit3A_4 = arith.constant 80 : i32
    %jit3A_5 = arith.constant 80 : i32
    %select_n3A_6 = arith.select %eq3A_3, %jit3A_4, %jit3A_5 : i32
    "tpu.region"() ({
      %run_scoped3A = tpu.sem_alloc : memref<!tpu.dma_semaphore, #tpu.memory_space<semaphore_mem>>
      %dma_start3A = arith.constant 0 : i32
      %dma_start3A_33 = tpu.memref_slice %arg2[%arg1, %select_n3A, %dma_start3A] : memref<16x160x128xi32, #tpu.memory_space<hbm>> -> memref<1x80x128xi32, #tpu.memory_space<hbm>>
      %dma_start3A_34 = tpu.memref_squeeze %dma_start3A_33 : memref<1x80x128xi32, #tpu.memory_space<hbm>> -> memref<80x128xi32, #tpu.memory_space<hbm>>
      %dma_start3A_35 = arith.constant 0 : i32
      %dma_start3A_36 = tpu.memref_slice %arg2[%arg1, %select_n3A, %dma_start3A_35] : memref<16x160x128xi32, #tpu.memory_space<hbm>> -> memref<1x80x128xi32, #tpu.memory_space<hbm>>
      %dma_start3A_37 = tpu.memref_squeeze %dma_start3A_36 : memref<1x80x128xi32, #tpu.memory_space<hbm>> -> memref<80x128xi32, #tpu.memory_space<hbm>>
      tpu.enqueue_dma source(%dma_start3A_37 : memref<80x128xi32, #tpu.memory_space<hbm>>) target(%arg4 : memref<80x128xi32, #tpu.memory_space<vmem>>) target_semaphore(%run_scoped3A : memref<!tpu.dma_semaphore, #tpu.memory_space<semaphore_mem>>)
      %dma_wait3A = arith.constant 0 : i32
      %dma_wait3A_38 = tpu.memref_slice %arg2[%arg1, %select_n3A, %dma_wait3A] : memref<16x160x128xi32, #tpu.memory_space<hbm>> -> memref<1x80x128xi32, #tpu.memory_space<hbm>>
      %dma_wait3A_39 = tpu.memref_squeeze %dma_wait3A_38 : memref<1x80x128xi32, #tpu.memory_space<hbm>> -> memref<80x128xi32, #tpu.memory_space<hbm>>
      %dma_wait3A_40 = arith.constant 0 : i32
      %dma_wait3A_41 = tpu.memref_slice %arg2[%arg1, %select_n3A, %dma_wait3A_40] : memref<16x160x128xi32, #tpu.memory_space<hbm>> -> memref<1x80x128xi32, #tpu.memory_space<hbm>>
      %dma_wait3A_42 = tpu.memref_squeeze %dma_wait3A_41 : memref<1x80x128xi32, #tpu.memory_space<hbm>> -> memref<80x128xi32, #tpu.memory_space<hbm>>
      tpu.wait_dma2 semaphore(%run_scoped3A : memref<!tpu.dma_semaphore, #tpu.memory_space<semaphore_mem>>) src(%dma_wait3A_42 : memref<80x128xi32, #tpu.memory_space<hbm>>) dst(%arg4 : memref<80x128xi32, #tpu.memory_space<vmem>>)
      tpu.yield
    }) : () -> ()
    %scan3A = arith.constant 0 : i32
    %scan3A_7 = arith.constant 0 : i32
    %scan3A_8 = arith.constant 8 : i32
    %scan3A_9 = arith.addi %scan3A_7, %scan3A_8 : i32
    %scan3A_10 = arith.constant 1 : i32
    scf.for %scan3A_33 = %scan3A_7 to %scan3A_9 step %scan3A_10  : i32 {
      %broadcast_in_dim3A = arith.constant 1.000000e+00 : f32
      %broadcast_in_dim3A_34 = vector.broadcast %broadcast_in_dim3A : f32 to vector<16xf32>
      %mul3A_35 = arith.constant 16 : i32
      %mul3A_36 = arith.muli %scan3A_33, %mul3A_35 : i32
      %swap3A = arith.index_cast %mul3A_36 : i32 to index
      %swap3A_37 = tpu.vector_load %arg5[%swap3A] {strides = array<i32>} : memref<128xf32, #tpu.memory_space<vmem>>, vector<16xf32>,
      %swap3A_38 = vector.shape_cast %swap3A_37 : vector<16xf32> to vector<16xf32>
      %swap3A_39 = vector.shape_cast %broadcast_in_dim3A_34 : vector<16xf32> to vector<16xf32>
      tpu.vector_store %arg5[%swap3A], %swap3A_39 {strides = array<i32>} : memref<128xf32, #tpu.memory_space<vmem>>, vector<16xf32>,
    }
    %scan3A_11 = arith.constant 8 : i32
    %scan3A_12 = arith.constant 0 : i32
    %scan3A_13 = arith.constant 0 : i32
    %scan3A_14 = arith.constant 40 : i32
    %scan3A_15 = arith.addi %scan3A_13, %scan3A_14 : i32
    %scan3A_16 = arith.constant 1 : i32
    scf.for %scan3A_33 = %scan3A_13 to %scan3A_15 step %scan3A_16  : i32 {
      %broadcast_in_dim3A = arith.constant 0.000000e+00 : f32
      %broadcast_in_dim3A_34 = vector.broadcast %broadcast_in_dim3A : f32 to vector<16xf32>
      %mul3A_35 = arith.constant 16 : i32
      %mul3A_36 = arith.muli %scan3A_33, %mul3A_35 : i32
      %swap3A = arith.index_cast %mul3A_36 : i32 to index
      %swap3A_37 = tpu.vector_load %arg6[%swap3A] {strides = array<i32>} : memref<640xf32, #tpu.memory_space<vmem>>, vector<16xf32>,
      %swap3A_38 = vector.shape_cast %swap3A_37 : vector<16xf32> to vector<16xf32>
      %swap3A_39 = vector.shape_cast %broadcast_in_dim3A_34 : vector<16xf32> to vector<16xf32>
      tpu.vector_store %arg6[%swap3A], %swap3A_39 {strides = array<i32>} : memref<640xf32, #tpu.memory_space<vmem>>, vector<16xf32>,
    }
    %scan3A_17 = arith.constant 40 : i32
    %mul3A = arith.constant 640 : i32
    %mul3A_18 = arith.muli %arg1, %mul3A : i32
    "tpu.region"() ({
      %run_scoped3A = tpu.sem_alloc : memref<!tpu.dma_semaphore, #tpu.memory_space<semaphore_mem>>
      %dma_start3A = tpu.memref_slice %arg7[%mul3A_18] : memref<10240xf32, #tpu.memory_space<vmem_shared>> -> memref<640xf32, #tpu.memory_space<vmem_shared>>
      %dma_start3A_33 = tpu.memref_slice %arg7[%mul3A_18] : memref<10240xf32, #tpu.memory_space<vmem_shared>> -> memref<640xf32, #tpu.memory_space<vmem_shared>>
      tpu.enqueue_dma source(%arg6 : memref<640xf32, #tpu.memory_space<vmem>>) target(%dma_start3A_33 : memref<640xf32, #tpu.memory_space<vmem_shared>>) target_semaphore(%run_scoped3A : memref<!tpu.dma_semaphore, #tpu.memory_space<semaphore_mem>>)
      %dma_wait3A = tpu.memref_slice %arg7[%mul3A_18] : memref<10240xf32, #tpu.memory_space<vmem_shared>> -> memref<640xf32, #tpu.memory_space<vmem_shared>>
      %dma_wait3A_34 = tpu.memref_slice %arg7[%mul3A_18] : memref<10240xf32, #tpu.memory_space<vmem_shared>> -> memref<640xf32, #tpu.memory_space<vmem_shared>>
      tpu.wait_dma2 semaphore(%run_scoped3A : memref<!tpu.dma_semaphore, #tpu.memory_space<semaphore_mem>>) src(%arg6 : memref<640xf32, #tpu.memory_space<vmem>>) dst(%dma_wait3A_34 : memref<640xf32, #tpu.memory_space<vmem_shared>>)
      tpu.yield
    }) : () -> ()
    %barrier3A = arith.constant 0 : index
    tpu.barrier barrier_id(%barrier3A)
    %while3A = arith.constant 0 : i32
    %while3A_19 = arith.constant 0 : i32
    %while3A_20 = arith.subi %select_n3A_6, %while3A_19 : i32
    %while3A_21 = arith.addi %while3A_19, %while3A_20 : i32
    %while3A_22 = arith.constant 1 : i32
    %while3A_23 = arith.divsi %while3A_20, %while3A_22 : i32
    %while3A_24 = arith.muli %while3A_23, %while3A_22 : i32
    %while3A_25 = arith.addi %while3A_19, %while3A_24 : i32
    %while3A_26 = arith.constant 1 : i32
    scf.for %while3A_33 = %while3A_19 to %while3A_25 step %while3A_26  : i32 {
      "tpu.region"() ({
        %run_scoped3A = tpu.sem_alloc : memref<!tpu.dma_semaphore, #tpu.memory_space<semaphore_mem>>
        %dma_start3A = arith.constant 0 : i32
        %dma_start3A_34 = tpu.memref_slice %arg4[%while3A_33, %dma_start3A] : memref<80x128xi32, #tpu.memory_space<vmem>> -> memref<1x128xi32, #tpu.memory_space<vmem>>
        %dma_start3A_35 = tpu.memref_squeeze %dma_start3A_34 : memref<1x128xi32, #tpu.memory_space<vmem>> -> memref<128xi32, #tpu.memory_space<vmem>>
        %dma_start3A_36 = arith.constant 0 : i32
        %dma_start3A_37 = tpu.memref_slice %arg7[%dma_start3A_36] : memref<10240xf32, #tpu.memory_space<vmem_shared>> -> memref<10240xf32, #tpu.memory_space<vmem_shared>>
        tpu.enqueue_indirect_dma source(%arg5 : memref<128xf32, #tpu.memory_space<vmem>>) target(%dma_start3A_37 : memref<10240xf32, #tpu.memory_space<vmem_shared>>) offsets(%dma_start3A_35 : memref<128xi32, #tpu.memory_space<vmem>>) semaphore(%run_scoped3A : memref<!tpu.dma_semaphore, #tpu.memory_space<semaphore_mem>>) {add = true}
        %dma_wait3A = arith.constant 0 : i32
        %dma_wait3A_38 = tpu.memref_slice %arg4[%while3A_33, %dma_wait3A] : memref<80x128xi32, #tpu.memory_space<vmem>> -> memref<1x128xi32, #tpu.memory_space<vmem>>
        %dma_wait3A_39 = tpu.memref_squeeze %dma_wait3A_38 : memref<1x128xi32, #tpu.memory_space<vmem>> -> memref<128xi32, #tpu.memory_space<vmem>>
        %dma_wait3A_40 = arith.constant 0 : i32
        %dma_wait3A_41 = tpu.memref_slice %arg7[%dma_wait3A_40] : memref<10240xf32, #tpu.memory_space<vmem_shared>> -> memref<10240xf32, #tpu.memory_space<vmem_shared>>
        tpu.wait_indirect_dma semaphore(%run_scoped3A : memref<!tpu.dma_semaphore, #tpu.memory_space<semaphore_mem>>) src(%arg5 : memref<128xf32, #tpu.memory_space<vmem>>) dst(%dma_wait3A_41 : memref<10240xf32, #tpu.memory_space<vmem_shared>>)
        tpu.yield
      }) : () -> ()
    }
    %while3A_27 = arith.constant 1 : i32
    scf.for %while3A_33 = %while3A_25 to %while3A_21 step %while3A_27  : i32 {
      "tpu.region"() ({
        %run_scoped3A = tpu.sem_alloc : memref<!tpu.dma_semaphore, #tpu.memory_space<semaphore_mem>>
        %dma_start3A = arith.constant 0 : i32
        %dma_start3A_34 = tpu.memref_slice %arg4[%while3A_33, %dma_start3A] : memref<80x128xi32, #tpu.memory_space<vmem>> -> memref<1x128xi32, #tpu.memory_space<vmem>>
        %dma_start3A_35 = tpu.memref_squeeze %dma_start3A_34 : memref<1x128xi32, #tpu.memory_space<vmem>> -> memref<128xi32, #tpu.memory_space<vmem>>
        %dma_start3A_36 = arith.constant 0 : i32
        %dma_start3A_37 = tpu.memref_slice %arg7[%dma_start3A_36] : memref<10240xf32, #tpu.memory_space<vmem_shared>> -> memref<10240xf32, #tpu.memory_space<vmem_shared>>
        tpu.enqueue_indirect_dma source(%arg5 : memref<128xf32, #tpu.memory_space<vmem>>) target(%dma_start3A_37 : memref<10240xf32, #tpu.memory_space<vmem_shared>>) offsets(%dma_start3A_35 : memref<128xi32, #tpu.memory_space<vmem>>) semaphore(%run_scoped3A : memref<!tpu.dma_semaphore, #tpu.memory_space<semaphore_mem>>) {add = true}
        %dma_wait3A = arith.constant 0 : i32
        %dma_wait3A_38 = tpu.memref_slice %arg4[%while3A_33, %dma_wait3A] : memref<80x128xi32, #tpu.memory_space<vmem>> -> memref<1x128xi32, #tpu.memory_space<vmem>>
        %dma_wait3A_39 = tpu.memref_squeeze %dma_wait3A_38 : memref<1x128xi32, #tpu.memory_space<vmem>> -> memref<128xi32, #tpu.memory_space<vmem>>
        %dma_wait3A_40 = arith.constant 0 : i32
        %dma_wait3A_41 = tpu.memref_slice %arg7[%dma_wait3A_40] : memref<10240xf32, #tpu.memory_space<vmem_shared>> -> memref<10240xf32, #tpu.memory_space<vmem_shared>>
        tpu.wait_indirect_dma semaphore(%run_scoped3A : memref<!tpu.dma_semaphore, #tpu.memory_space<semaphore_mem>>) src(%arg5 : memref<128xf32, #tpu.memory_space<vmem>>) dst(%dma_wait3A_41 : memref<10240xf32, #tpu.memory_space<vmem_shared>>)
        tpu.yield
      }) : () -> ()
    }
    %barrier3A_28 = arith.constant 0 : index
    tpu.barrier barrier_id(%barrier3A_28)
    %mul3A_29 = arith.constant 640 : i32
    %mul3A_30 = arith.muli %arg1, %mul3A_29 : i32
    %mul3A_31 = arith.constant 640 : i32
    %mul3A_32 = arith.muli %arg1, %mul3A_31 : i32
    "tpu.region"() ({
      %run_scoped3A = tpu.sem_alloc : memref<!tpu.dma_semaphore, #tpu.memory_space<semaphore_mem>>
      %dma_start3A = tpu.memref_slice %arg3[%arg0, %mul3A_32] : memref<2x10240xf32, #tpu.memory_space<hbm>> -> memref<1x640xf32, #tpu.memory_space<hbm>>
      %dma_start3A_33 = tpu.memref_squeeze %dma_start3A : memref<1x640xf32, #tpu.memory_space<hbm>> -> memref<640xf32, #tpu.memory_space<hbm>>
      %dma_start3A_34 = tpu.memref_slice %arg7[%mul3A_30] : memref<10240xf32, #tpu.memory_space<vmem_shared>> -> memref<640xf32, #tpu.memory_space<vmem_shared>>
      tpu.enqueue_dma source(%dma_start3A_34 : memref<640xf32, #tpu.memory_space<vmem_shared>>) target(%dma_start3A_33 : memref<640xf32, #tpu.memory_space<hbm>>) target_semaphore(%run_scoped3A : memref<!tpu.dma_semaphore, #tpu.memory_space<semaphore_mem>>)
      %dma_wait3A = tpu.memref_slice %arg3[%arg0, %mul3A_32] : memref<2x10240xf32, #tpu.memory_space<hbm>> -> memref<1x640xf32, #tpu.memory_space<hbm>>
      %dma_wait3A_35 = tpu.memref_squeeze %dma_wait3A : memref<1x640xf32, #tpu.memory_space<hbm>> -> memref<640xf32, #tpu.memory_space<hbm>>
      %dma_wait3A_36 = tpu.memref_slice %arg7[%mul3A_30] : memref<10240xf32, #tpu.memory_space<vmem_shared>> -> memref<640xf32, #tpu.memory_space<vmem_shared>>
      tpu.wait_dma2 semaphore(%run_scoped3A : memref<!tpu.dma_semaphore, #tpu.memory_space<semaphore_mem>>) src(%dma_wait3A_36 : memref<640xf32, #tpu.memory_space<vmem_shared>>) dst(%dma_wait3A_35 : memref<640xf32, #tpu.memory_space<hbm>>)
      tpu.yield
    }) : () -> ()
    return
  }
}

#map = affine_map<(d0, d1) -> (0, 0)>
#map1 = affine_map<(d0, d1) -> (0, 0, 0)>
module attributes {stable_mosaic.version = 14 : i64} {
  func.func @_sc_scatter(%arg0: i32, %arg1: i32, %arg2: memref<10240x128xf32, #tpu.memory_space<hbm>>, %arg3: memref<16x160x128xi32, #tpu.memory_space<hbm>>, %arg4: memref<16x160x128xi32, #tpu.memory_space<hbm>>, %arg5: memref<10240x128xf32, #tpu.memory_space<hbm>>, %arg6: memref<2x10240x128xf32, #tpu.memory_space<hbm>>, %arg7: memref<80x128xi32, #tpu.memory_space<vmem>>, %arg8: memref<80x128xi32, #tpu.memory_space<vmem>>, %arg9: memref<128x128xf32, #tpu.memory_space<vmem>>, %arg10: memref<10240x128xf32, #tpu.memory_space<vmem_shared>>, %arg11: memref<!tpu.dma_semaphore, #tpu.memory_space<semaphore_mem>>, %arg12: memref<!tpu.dma_semaphore, #tpu.memory_space<semaphore_mem>>) attributes {dimension_semantics = [#tpu.dimension_semantics<core_parallel>, #tpu.dimension_semantics<subcore_parallel>], iteration_bounds = array<i64: 2, 16>, scalar_prefetch = 0 : i64, scratch_operands = 6 : i64, tpu.core_type = #tpu.core_type<sc_vector_subcore>, window_params = [{transform_indices = #map}, {transform_indices = #map1}, {transform_indices = #map1}, {transform_indices = #map}, {transform_indices = #map1}]} {
    %eq3A = arith.constant 0 : i32
    %eq3A_0 = arith.cmpi eq, %arg0, %eq3A : i32
    %jit3A = arith.constant 0 : i32
    %jit3A_1 = arith.constant 80 : i32
    %select_n3A = arith.select %eq3A_0, %jit3A, %jit3A_1 : i32
    %eq3A_2 = arith.constant 0 : i32
    %eq3A_3 = arith.cmpi eq, %arg0, %eq3A_2 : i32
    %jit3A_4 = arith.constant 80 : i32
    %jit3A_5 = arith.constant 80 : i32
    %select_n3A_6 = arith.select %eq3A_3, %jit3A_4, %jit3A_5 : i32
    %mul3A = arith.constant 640 : i32
    %mul3A_7 = arith.muli %arg1, %mul3A : i32
    %mul3A_8 = arith.constant 640 : i32
    %mul3A_9 = arith.muli %arg1, %mul3A_8 : i32
    %dma_start3A = arith.constant 0 : i32
    %dma_start3A_10 = tpu.memref_slice %arg10[%mul3A_9, %dma_start3A] : memref<10240x128xf32, #tpu.memory_space<vmem_shared>> -> memref<640x128xf32, #tpu.memory_space<vmem_shared>>
    %dma_start3A_11 = arith.constant 0 : i32
    %dma_start3A_12 = tpu.memref_slice %arg5[%mul3A_7, %dma_start3A_11] : memref<10240x128xf32, #tpu.memory_space<hbm>> -> memref<640x128xf32, #tpu.memory_space<hbm>>
    tpu.enqueue_dma source(%dma_start3A_12 : memref<640x128xf32, #tpu.memory_space<hbm>>) target(%dma_start3A_10 : memref<640x128xf32, #tpu.memory_space<vmem_shared>>) target_semaphore(%arg12 : memref<!tpu.dma_semaphore, #tpu.memory_space<semaphore_mem>>)
    "tpu.region"() ({
      %run_scoped3A = tpu.sem_alloc : memref<!tpu.dma_semaphore, #tpu.memory_space<semaphore_mem>>
      %dma_start3A_30 = arith.constant 0 : i32
      %dma_start3A_31 = tpu.memref_slice %arg3[%arg1, %select_n3A, %dma_start3A_30] : memref<16x160x128xi32, #tpu.memory_space<hbm>> -> memref<1x80x128xi32, #tpu.memory_space<hbm>>
      %dma_start3A_32 = tpu.memref_squeeze %dma_start3A_31 : memref<1x80x128xi32, #tpu.memory_space<hbm>> -> memref<80x128xi32, #tpu.memory_space<hbm>>
      %dma_start3A_33 = arith.constant 0 : i32
      %dma_start3A_34 = tpu.memref_slice %arg3[%arg1, %select_n3A, %dma_start3A_33] : memref<16x160x128xi32, #tpu.memory_space<hbm>> -> memref<1x80x128xi32, #tpu.memory_space<hbm>>
      %dma_start3A_35 = tpu.memref_squeeze %dma_start3A_34 : memref<1x80x128xi32, #tpu.memory_space<hbm>> -> memref<80x128xi32, #tpu.memory_space<hbm>>
      tpu.enqueue_dma source(%dma_start3A_35 : memref<80x128xi32, #tpu.memory_space<hbm>>) target(%arg7 : memref<80x128xi32, #tpu.memory_space<vmem>>) target_semaphore(%run_scoped3A : memref<!tpu.dma_semaphore, #tpu.memory_space<semaphore_mem>>)
      %dma_wait3A_36 = arith.constant 0 : i32
      %dma_wait3A_37 = tpu.memref_slice %arg3[%arg1, %select_n3A, %dma_wait3A_36] : memref<16x160x128xi32, #tpu.memory_space<hbm>> -> memref<1x80x128xi32, #tpu.memory_space<hbm>>
      %dma_wait3A_38 = tpu.memref_squeeze %dma_wait3A_37 : memref<1x80x128xi32, #tpu.memory_space<hbm>> -> memref<80x128xi32, #tpu.memory_space<hbm>>
      %dma_wait3A_39 = arith.constant 0 : i32
      %dma_wait3A_40 = tpu.memref_slice %arg3[%arg1, %select_n3A, %dma_wait3A_39] : memref<16x160x128xi32, #tpu.memory_space<hbm>> -> memref<1x80x128xi32, #tpu.memory_space<hbm>>
      %dma_wait3A_41 = tpu.memref_squeeze %dma_wait3A_40 : memref<1x80x128xi32, #tpu.memory_space<hbm>> -> memref<80x128xi32, #tpu.memory_space<hbm>>
      tpu.wait_dma2 semaphore(%run_scoped3A : memref<!tpu.dma_semaphore, #tpu.memory_space<semaphore_mem>>) src(%dma_wait3A_41 : memref<80x128xi32, #tpu.memory_space<hbm>>) dst(%arg7 : memref<80x128xi32, #tpu.memory_space<vmem>>)
      tpu.yield
    }) : () -> ()
    "tpu.region"() ({
      %run_scoped3A = tpu.sem_alloc : memref<!tpu.dma_semaphore, #tpu.memory_space<semaphore_mem>>
      %dma_start3A_30 = arith.constant 0 : i32
      %dma_start3A_31 = tpu.memref_slice %arg4[%arg1, %select_n3A, %dma_start3A_30] : memref<16x160x128xi32, #tpu.memory_space<hbm>> -> memref<1x80x128xi32, #tpu.memory_space<hbm>>
      %dma_start3A_32 = tpu.memref_squeeze %dma_start3A_31 : memref<1x80x128xi32, #tpu.memory_space<hbm>> -> memref<80x128xi32, #tpu.memory_space<hbm>>
      %dma_start3A_33 = arith.constant 0 : i32
      %dma_start3A_34 = tpu.memref_slice %arg4[%arg1, %select_n3A, %dma_start3A_33] : memref<16x160x128xi32, #tpu.memory_space<hbm>> -> memref<1x80x128xi32, #tpu.memory_space<hbm>>
      %dma_start3A_35 = tpu.memref_squeeze %dma_start3A_34 : memref<1x80x128xi32, #tpu.memory_space<hbm>> -> memref<80x128xi32, #tpu.memory_space<hbm>>
      tpu.enqueue_dma source(%dma_start3A_35 : memref<80x128xi32, #tpu.memory_space<hbm>>) target(%arg8 : memref<80x128xi32, #tpu.memory_space<vmem>>) target_semaphore(%run_scoped3A : memref<!tpu.dma_semaphore, #tpu.memory_space<semaphore_mem>>)
      %dma_wait3A_36 = arith.constant 0 : i32
      %dma_wait3A_37 = tpu.memref_slice %arg4[%arg1, %select_n3A, %dma_wait3A_36] : memref<16x160x128xi32, #tpu.memory_space<hbm>> -> memref<1x80x128xi32, #tpu.memory_space<hbm>>
      %dma_wait3A_38 = tpu.memref_squeeze %dma_wait3A_37 : memref<1x80x128xi32, #tpu.memory_space<hbm>> -> memref<80x128xi32, #tpu.memory_space<hbm>>
      %dma_wait3A_39 = arith.constant 0 : i32
      %dma_wait3A_40 = tpu.memref_slice %arg4[%arg1, %select_n3A, %dma_wait3A_39] : memref<16x160x128xi32, #tpu.memory_space<hbm>> -> memref<1x80x128xi32, #tpu.memory_space<hbm>>
      %dma_wait3A_41 = tpu.memref_squeeze %dma_wait3A_40 : memref<1x80x128xi32, #tpu.memory_space<hbm>> -> memref<80x128xi32, #tpu.memory_space<hbm>>
      tpu.wait_dma2 semaphore(%run_scoped3A : memref<!tpu.dma_semaphore, #tpu.memory_space<semaphore_mem>>) src(%dma_wait3A_41 : memref<80x128xi32, #tpu.memory_space<hbm>>) dst(%arg8 : memref<80x128xi32, #tpu.memory_space<vmem>>)
      tpu.yield
    }) : () -> ()
    %dma_wait3A = arith.constant 0 : i32
    %dma_wait3A_13 = tpu.memref_slice %arg10[%mul3A_9, %dma_wait3A] : memref<10240x128xf32, #tpu.memory_space<vmem_shared>> -> memref<640x128xf32, #tpu.memory_space<vmem_shared>>
    %dma_wait3A_14 = arith.constant 0 : i32
    %dma_wait3A_15 = tpu.memref_slice %arg5[%mul3A_7, %dma_wait3A_14] : memref<10240x128xf32, #tpu.memory_space<hbm>> -> memref<640x128xf32, #tpu.memory_space<hbm>>
    tpu.wait_dma2 semaphore(%arg12 : memref<!tpu.dma_semaphore, #tpu.memory_space<semaphore_mem>>) src(%dma_wait3A_15 : memref<640x128xf32, #tpu.memory_space<hbm>>) dst(%dma_wait3A_13 : memref<640x128xf32, #tpu.memory_space<vmem_shared>>)
    %barrier3A = arith.constant 0 : index
    tpu.barrier barrier_id(%barrier3A)
    %while3A = arith.constant 0 : i32
    %while3A_16 = arith.constant 0 : i32
    %while3A_17 = arith.subi %select_n3A_6, %while3A_16 : i32
    %while3A_18 = arith.addi %while3A_16, %while3A_17 : i32
    %while3A_19 = arith.constant 1 : i32
    %while3A_20 = arith.divsi %while3A_17, %while3A_19 : i32
    %while3A_21 = arith.muli %while3A_20, %while3A_19 : i32
    %while3A_22 = arith.addi %while3A_16, %while3A_21 : i32
    %while3A_23 = arith.constant 1 : i32
    scf.for %while3A_30 = %while3A_16 to %while3A_22 step %while3A_23  : i32 {
      %dma_start3A_31 = arith.constant 0 : i32
      %dma_start3A_32 = tpu.memref_slice %arg7[%while3A_30, %dma_start3A_31] : memref<80x128xi32, #tpu.memory_space<vmem>> -> memref<1x128xi32, #tpu.memory_space<vmem>>
      %dma_start3A_33 = tpu.memref_squeeze %dma_start3A_32 : memref<1x128xi32, #tpu.memory_space<vmem>> -> memref<128xi32, #tpu.memory_space<vmem>>
      %dma_start3A_34 = arith.constant 0 : i32
      %dma_start3A_35 = arith.constant 0 : i32
      %dma_start3A_36 = tpu.memref_slice %arg2[%dma_start3A_34, %dma_start3A_35] : memref<10240x128xf32, #tpu.memory_space<hbm>> -> memref<10240x128xf32, #tpu.memory_space<hbm>>
      tpu.enqueue_indirect_dma source(%dma_start3A_36 : memref<10240x128xf32, #tpu.memory_space<hbm>>) target(%arg9 : memref<128x128xf32, #tpu.memory_space<vmem>>) offsets(%dma_start3A_33 : memref<128xi32, #tpu.memory_space<vmem>>) semaphore(%arg11 : memref<!tpu.dma_semaphore, #tpu.memory_space<semaphore_mem>>)
      %dma_wait3A_37 = arith.constant 0 : i32
      %dma_wait3A_38 = tpu.memref_slice %arg7[%while3A_30, %dma_wait3A_37] : memref<80x128xi32, #tpu.memory_space<vmem>> -> memref<1x128xi32, #tpu.memory_space<vmem>>
      %dma_wait3A_39 = tpu.memref_squeeze %dma_wait3A_38 : memref<1x128xi32, #tpu.memory_space<vmem>> -> memref<128xi32, #tpu.memory_space<vmem>>
      %dma_wait3A_40 = arith.constant 0 : i32
      %dma_wait3A_41 = arith.constant 0 : i32
      %dma_wait3A_42 = tpu.memref_slice %arg2[%dma_wait3A_40, %dma_wait3A_41] : memref<10240x128xf32, #tpu.memory_space<hbm>> -> memref<10240x128xf32, #tpu.memory_space<hbm>>
      tpu.wait_indirect_dma semaphore(%arg11 : memref<!tpu.dma_semaphore, #tpu.memory_space<semaphore_mem>>) src(%dma_wait3A_42 : memref<10240x128xf32, #tpu.memory_space<hbm>>) dst(%arg9 : memref<128x128xf32, #tpu.memory_space<vmem>>)
      "tpu.region"() ({
        %run_scoped3A = tpu.sem_alloc : memref<!tpu.dma_semaphore, #tpu.memory_space<semaphore_mem>>
        %dma_start3A_43 = arith.constant 0 : i32
        %dma_start3A_44 = tpu.memref_slice %arg8[%while3A_30, %dma_start3A_43] : memref<80x128xi32, #tpu.memory_space<vmem>> -> memref<1x128xi32, #tpu.memory_space<vmem>>
        %dma_start3A_45 = tpu.memref_squeeze %dma_start3A_44 : memref<1x128xi32, #tpu.memory_space<vmem>> -> memref<128xi32, #tpu.memory_space<vmem>>
        %dma_start3A_46 = arith.constant 0 : i32
        %dma_start3A_47 = arith.constant 0 : i32
        %dma_start3A_48 = tpu.memref_slice %arg10[%dma_start3A_46, %dma_start3A_47] : memref<10240x128xf32, #tpu.memory_space<vmem_shared>> -> memref<10240x128xf32, #tpu.memory_space<vmem_shared>>
        tpu.enqueue_indirect_dma source(%arg9 : memref<128x128xf32, #tpu.memory_space<vmem>>) target(%dma_start3A_48 : memref<10240x128xf32, #tpu.memory_space<vmem_shared>>) offsets(%dma_start3A_45 : memref<128xi32, #tpu.memory_space<vmem>>) semaphore(%run_scoped3A : memref<!tpu.dma_semaphore, #tpu.memory_space<semaphore_mem>>) {add = true}
        %dma_wait3A_49 = arith.constant 0 : i32
        %dma_wait3A_50 = tpu.memref_slice %arg8[%while3A_30, %dma_wait3A_49] : memref<80x128xi32, #tpu.memory_space<vmem>> -> memref<1x128xi32, #tpu.memory_space<vmem>>
        %dma_wait3A_51 = tpu.memref_squeeze %dma_wait3A_50 : memref<1x128xi32, #tpu.memory_space<vmem>> -> memref<128xi32, #tpu.memory_space<vmem>>
        %dma_wait3A_52 = arith.constant 0 : i32
        %dma_wait3A_53 = arith.constant 0 : i32
        %dma_wait3A_54 = tpu.memref_slice %arg10[%dma_wait3A_52, %dma_wait3A_53] : memref<10240x128xf32, #tpu.memory_space<vmem_shared>> -> memref<10240x128xf32, #tpu.memory_space<vmem_shared>>
        tpu.wait_indirect_dma semaphore(%run_scoped3A : memref<!tpu.dma_semaphore, #tpu.memory_space<semaphore_mem>>) src(%arg9 : memref<128x128xf32, #tpu.memory_space<vmem>>) dst(%dma_wait3A_54 : memref<10240x128xf32, #tpu.memory_space<vmem_shared>>)
        tpu.yield
      }) : () -> ()
    }
    %while3A_24 = arith.constant 1 : i32
    scf.for %while3A_30 = %while3A_22 to %while3A_18 step %while3A_24  : i32 {
      %dma_start3A_31 = arith.constant 0 : i32
      %dma_start3A_32 = tpu.memref_slice %arg7[%while3A_30, %dma_start3A_31] : memref<80x128xi32, #tpu.memory_space<vmem>> -> memref<1x128xi32, #tpu.memory_space<vmem>>
      %dma_start3A_33 = tpu.memref_squeeze %dma_start3A_32 : memref<1x128xi32, #tpu.memory_space<vmem>> -> memref<128xi32, #tpu.memory_space<vmem>>
      %dma_start3A_34 = arith.constant 0 : i32
      %dma_start3A_35 = arith.constant 0 : i32
      %dma_start3A_36 = tpu.memref_slice %arg2[%dma_start3A_34, %dma_start3A_35] : memref<10240x128xf32, #tpu.memory_space<hbm>> -> memref<10240x128xf32, #tpu.memory_space<hbm>>
      tpu.enqueue_indirect_dma source(%dma_start3A_36 : memref<10240x128xf32, #tpu.memory_space<hbm>>) target(%arg9 : memref<128x128xf32, #tpu.memory_space<vmem>>) offsets(%dma_start3A_33 : memref<128xi32, #tpu.memory_space<vmem>>) semaphore(%arg11 : memref<!tpu.dma_semaphore, #tpu.memory_space<semaphore_mem>>)
      %dma_wait3A_37 = arith.constant 0 : i32
      %dma_wait3A_38 = tpu.memref_slice %arg7[%while3A_30, %dma_wait3A_37] : memref<80x128xi32, #tpu.memory_space<vmem>> -> memref<1x128xi32, #tpu.memory_space<vmem>>
      %dma_wait3A_39 = tpu.memref_squeeze %dma_wait3A_38 : memref<1x128xi32, #tpu.memory_space<vmem>> -> memref<128xi32, #tpu.memory_space<vmem>>
      %dma_wait3A_40 = arith.constant 0 : i32
      %dma_wait3A_41 = arith.constant 0 : i32
      %dma_wait3A_42 = tpu.memref_slice %arg2[%dma_wait3A_40, %dma_wait3A_41] : memref<10240x128xf32, #tpu.memory_space<hbm>> -> memref<10240x128xf32, #tpu.memory_space<hbm>>
      tpu.wait_indirect_dma semaphore(%arg11 : memref<!tpu.dma_semaphore, #tpu.memory_space<semaphore_mem>>) src(%dma_wait3A_42 : memref<10240x128xf32, #tpu.memory_space<hbm>>) dst(%arg9 : memref<128x128xf32, #tpu.memory_space<vmem>>)
      "tpu.region"() ({
        %run_scoped3A = tpu.sem_alloc : memref<!tpu.dma_semaphore, #tpu.memory_space<semaphore_mem>>
        %dma_start3A_43 = arith.constant 0 : i32
        %dma_start3A_44 = tpu.memref_slice %arg8[%while3A_30, %dma_start3A_43] : memref<80x128xi32, #tpu.memory_space<vmem>> -> memref<1x128xi32, #tpu.memory_space<vmem>>
        %dma_start3A_45 = tpu.memref_squeeze %dma_start3A_44 : memref<1x128xi32, #tpu.memory_space<vmem>> -> memref<128xi32, #tpu.memory_space<vmem>>
        %dma_start3A_46 = arith.constant 0 : i32
        %dma_start3A_47 = arith.constant 0 : i32
        %dma_start3A_48 = tpu.memref_slice %arg10[%dma_start3A_46, %dma_start3A_47] : memref<10240x128xf32, #tpu.memory_space<vmem_shared>> -> memref<10240x128xf32, #tpu.memory_space<vmem_shared>>
        tpu.enqueue_indirect_dma source(%arg9 : memref<128x128xf32, #tpu.memory_space<vmem>>) target(%dma_start3A_48 : memref<10240x128xf32, #tpu.memory_space<vmem_shared>>) offsets(%dma_start3A_45 : memref<128xi32, #tpu.memory_space<vmem>>) semaphore(%run_scoped3A : memref<!tpu.dma_semaphore, #tpu.memory_space<semaphore_mem>>) {add = true}
        %dma_wait3A_49 = arith.constant 0 : i32
        %dma_wait3A_50 = tpu.memref_slice %arg8[%while3A_30, %dma_wait3A_49] : memref<80x128xi32, #tpu.memory_space<vmem>> -> memref<1x128xi32, #tpu.memory_space<vmem>>
        %dma_wait3A_51 = tpu.memref_squeeze %dma_wait3A_50 : memref<1x128xi32, #tpu.memory_space<vmem>> -> memref<128xi32, #tpu.memory_space<vmem>>
        %dma_wait3A_52 = arith.constant 0 : i32
        %dma_wait3A_53 = arith.constant 0 : i32
        %dma_wait3A_54 = tpu.memref_slice %arg10[%dma_wait3A_52, %dma_wait3A_53] : memref<10240x128xf32, #tpu.memory_space<vmem_shared>> -> memref<10240x128xf32, #tpu.memory_space<vmem_shared>>
        tpu.wait_indirect_dma semaphore(%run_scoped3A : memref<!tpu.dma_semaphore, #tpu.memory_space<semaphore_mem>>) src(%arg9 : memref<128x128xf32, #tpu.memory_space<vmem>>) dst(%dma_wait3A_54 : memref<10240x128xf32, #tpu.memory_space<vmem_shared>>)
        tpu.yield
      }) : () -> ()
    }
    %barrier3A_25 = arith.constant 0 : index
    tpu.barrier barrier_id(%barrier3A_25)
    %mul3A_26 = arith.constant 640 : i32
    %mul3A_27 = arith.muli %arg1, %mul3A_26 : i32
    %mul3A_28 = arith.constant 640 : i32
    %mul3A_29 = arith.muli %arg1, %mul3A_28 : i32
    "tpu.region"() ({
      %run_scoped3A = tpu.sem_alloc : memref<!tpu.dma_semaphore, #tpu.memory_space<semaphore_mem>>
      %dma_start3A_30 = arith.constant 0 : i32
      %dma_start3A_31 = tpu.memref_slice %arg6[%arg0, %mul3A_29, %dma_start3A_30] : memref<2x10240x128xf32, #tpu.memory_space<hbm>> -> memref<1x640x128xf32, #tpu.memory_space<hbm>>
      %dma_start3A_32 = tpu.memref_squeeze %dma_start3A_31 : memref<1x640x128xf32, #tpu.memory_space<hbm>> -> memref<640x128xf32, #tpu.memory_space<hbm>>
      %dma_start3A_33 = arith.constant 0 : i32
      %dma_start3A_34 = tpu.memref_slice %arg10[%mul3A_27, %dma_start3A_33] : memref<10240x128xf32, #tpu.memory_space<vmem_shared>> -> memref<640x128xf32, #tpu.memory_space<vmem_shared>>
      tpu.enqueue_dma source(%dma_start3A_34 : memref<640x128xf32, #tpu.memory_space<vmem_shared>>) target(%dma_start3A_32 : memref<640x128xf32, #tpu.memory_space<hbm>>) target_semaphore(%run_scoped3A : memref<!tpu.dma_semaphore, #tpu.memory_space<semaphore_mem>>)
      %dma_wait3A_35 = arith.constant 0 : i32
      %dma_wait3A_36 = tpu.memref_slice %arg6[%arg0, %mul3A_29, %dma_wait3A_35] : memref<2x10240x128xf32, #tpu.memory_space<hbm>> -> memref<1x640x128xf32, #tpu.memory_space<hbm>>
      %dma_wait3A_37 = tpu.memref_squeeze %dma_wait3A_36 : memref<1x640x128xf32, #tpu.memory_space<hbm>> -> memref<640x128xf32, #tpu.memory_space<hbm>>
      %dma_wait3A_38 = arith.constant 0 : i32
      %dma_wait3A_39 = tpu.memref_slice %arg10[%mul3A_27, %dma_wait3A_38] : memref<10240x128xf32, #tpu.memory_space<vmem_shared>> -> memref<640x128xf32, #tpu.memory_space<vmem_shared>>
      tpu.wait_dma2 semaphore(%run_scoped3A : memref<!tpu.dma_semaphore, #tpu.memory_space<semaphore_mem>>) src(%dma_wait3A_39 : memref<640x128xf32, #tpu.memory_space<vmem_shared>>) dst(%dma_wait3A_37 : memref<640x128xf32, #tpu.memory_space<hbm>>)
      tpu.yield
    }) : () -> ()
    return
  }
}

#map = affine_map<(d0, d1) -> (0, 0)>
#map1 = affine_map<(d0, d1) -> (0, 0, 0)>
module attributes {stable_mosaic.version = 14 : i64} {
  func.func @_sc_scatter(%arg0: i32, %arg1: i32, %arg2: memref<10240x128xf32, #tpu.memory_space<hbm>>, %arg3: memref<16x160x128xi32, #tpu.memory_space<hbm>>, %arg4: memref<16x160x128xi32, #tpu.memory_space<hbm>>, %arg5: memref<10240x128xf32, #tpu.memory_space<hbm>>, %arg6: memref<2x10240x128xf32, #tpu.memory_space<hbm>>, %arg7: memref<80x128xi32, #tpu.memory_space<vmem>>, %arg8: memref<80x128xi32, #tpu.memory_space<vmem>>, %arg9: memref<128x128xf32, #tpu.memory_space<vmem>>, %arg10: memref<10240x128xf32, #tpu.memory_space<vmem_shared>>, %arg11: memref<!tpu.dma_semaphore, #tpu.memory_space<semaphore_mem>>, %arg12: memref<!tpu.dma_semaphore, #tpu.memory_space<semaphore_mem>>) attributes {dimension_semantics = [#tpu.dimension_semantics<core_parallel>, #tpu.dimension_semantics<subcore_parallel>], iteration_bounds = array<i64: 2, 16>, scalar_prefetch = 0 : i64, scratch_operands = 6 : i64, tpu.core_type = #tpu.core_type<sc_vector_subcore>, window_params = [{transform_indices = #map}, {transform_indices = #map1}, {transform_indices = #map1}, {transform_indices = #map}, {transform_indices = #map1}]} {
    %eq3A = arith.constant 0 : i32
    %eq3A_0 = arith.cmpi eq, %arg0, %eq3A : i32
    %jit3A = arith.constant 0 : i32
    %jit3A_1 = arith.constant 80 : i32
    %select_n3A = arith.select %eq3A_0, %jit3A, %jit3A_1 : i32
    %eq3A_2 = arith.constant 0 : i32
    %eq3A_3 = arith.cmpi eq, %arg0, %eq3A_2 : i32
    %jit3A_4 = arith.constant 80 : i32
    %jit3A_5 = arith.constant 80 : i32
    %select_n3A_6 = arith.select %eq3A_3, %jit3A_4, %jit3A_5 : i32
    %mul3A = arith.constant 640 : i32
    %mul3A_7 = arith.muli %arg1, %mul3A : i32
    %mul3A_8 = arith.constant 640 : i32
    %mul3A_9 = arith.muli %arg1, %mul3A_8 : i32
    %dma_start3A = arith.constant 0 : i32
    %dma_start3A_10 = tpu.memref_slice %arg10[%mul3A_9, %dma_start3A] : memref<10240x128xf32, #tpu.memory_space<vmem_shared>> -> memref<640x128xf32, #tpu.memory_space<vmem_shared>>
    %dma_start3A_11 = arith.constant 0 : i32
    %dma_start3A_12 = tpu.memref_slice %arg5[%mul3A_7, %dma_start3A_11] : memref<10240x128xf32, #tpu.memory_space<hbm>> -> memref<640x128xf32, #tpu.memory_space<hbm>>
    tpu.enqueue_dma source(%dma_start3A_12 : memref<640x128xf32, #tpu.memory_space<hbm>>) target(%dma_start3A_10 : memref<640x128xf32, #tpu.memory_space<vmem_shared>>) target_semaphore(%arg12 : memref<!tpu.dma_semaphore, #tpu.memory_space<semaphore_mem>>)
    "tpu.region"() ({
      %run_scoped3A = tpu.sem_alloc : memref<!tpu.dma_semaphore, #tpu.memory_space<semaphore_mem>>
      %dma_start3A_30 = arith.constant 0 : i32
      %dma_start3A_31 = tpu.memref_slice %arg3[%arg1, %select_n3A, %dma_start3A_30] : memref<16x160x128xi32, #tpu.memory_space<hbm>> -> memref<1x80x128xi32, #tpu.memory_space<hbm>>
      %dma_start3A_32 = tpu.memref_squeeze %dma_start3A_31 : memref<1x80x128xi32, #tpu.memory_space<hbm>> -> memref<80x128xi32, #tpu.memory_space<hbm>>
      %dma_start3A_33 = arith.constant 0 : i32
      %dma_start3A_34 = tpu.memref_slice %arg3[%arg1, %select_n3A, %dma_start3A_33] : memref<16x160x128xi32, #tpu.memory_space<hbm>> -> memref<1x80x128xi32, #tpu.memory_space<hbm>>
      %dma_start3A_35 = tpu.memref_squeeze %dma_start3A_34 : memref<1x80x128xi32, #tpu.memory_space<hbm>> -> memref<80x128xi32, #tpu.memory_space<hbm>>
      tpu.enqueue_dma source(%dma_start3A_35 : memref<80x128xi32, #tpu.memory_space<hbm>>) target(%arg7 : memref<80x128xi32, #tpu.memory_space<vmem>>) target_semaphore(%run_scoped3A : memref<!tpu.dma_semaphore, #tpu.memory_space<semaphore_mem>>)
      %dma_wait3A_36 = arith.constant 0 : i32
      %dma_wait3A_37 = tpu.memref_slice %arg3[%arg1, %select_n3A, %dma_wait3A_36] : memref<16x160x128xi32, #tpu.memory_space<hbm>> -> memref<1x80x128xi32, #tpu.memory_space<hbm>>
      %dma_wait3A_38 = tpu.memref_squeeze %dma_wait3A_37 : memref<1x80x128xi32, #tpu.memory_space<hbm>> -> memref<80x128xi32, #tpu.memory_space<hbm>>
      %dma_wait3A_39 = arith.constant 0 : i32
      %dma_wait3A_40 = tpu.memref_slice %arg3[%arg1, %select_n3A, %dma_wait3A_39] : memref<16x160x128xi32, #tpu.memory_space<hbm>> -> memref<1x80x128xi32, #tpu.memory_space<hbm>>
      %dma_wait3A_41 = tpu.memref_squeeze %dma_wait3A_40 : memref<1x80x128xi32, #tpu.memory_space<hbm>> -> memref<80x128xi32, #tpu.memory_space<hbm>>
      tpu.wait_dma2 semaphore(%run_scoped3A : memref<!tpu.dma_semaphore, #tpu.memory_space<semaphore_mem>>) src(%dma_wait3A_41 : memref<80x128xi32, #tpu.memory_space<hbm>>) dst(%arg7 : memref<80x128xi32, #tpu.memory_space<vmem>>)
      tpu.yield
    }) : () -> ()
    "tpu.region"() ({
      %run_scoped3A = tpu.sem_alloc : memref<!tpu.dma_semaphore, #tpu.memory_space<semaphore_mem>>
      %dma_start3A_30 = arith.constant 0 : i32
      %dma_start3A_31 = tpu.memref_slice %arg4[%arg1, %select_n3A, %dma_start3A_30] : memref<16x160x128xi32, #tpu.memory_space<hbm>> -> memref<1x80x128xi32, #tpu.memory_space<hbm>>
      %dma_start3A_32 = tpu.memref_squeeze %dma_start3A_31 : memref<1x80x128xi32, #tpu.memory_space<hbm>> -> memref<80x128xi32, #tpu.memory_space<hbm>>
      %dma_start3A_33 = arith.constant 0 : i32
      %dma_start3A_34 = tpu.memref_slice %arg4[%arg1, %select_n3A, %dma_start3A_33] : memref<16x160x128xi32, #tpu.memory_space<hbm>> -> memref<1x80x128xi32, #tpu.memory_space<hbm>>
      %dma_start3A_35 = tpu.memref_squeeze %dma_start3A_34 : memref<1x80x128xi32, #tpu.memory_space<hbm>> -> memref<80x128xi32, #tpu.memory_space<hbm>>
      tpu.enqueue_dma source(%dma_start3A_35 : memref<80x128xi32, #tpu.memory_space<hbm>>) target(%arg8 : memref<80x128xi32, #tpu.memory_space<vmem>>) target_semaphore(%run_scoped3A : memref<!tpu.dma_semaphore, #tpu.memory_space<semaphore_mem>>)
      %dma_wait3A_36 = arith.constant 0 : i32
      %dma_wait3A_37 = tpu.memref_slice %arg4[%arg1, %select_n3A, %dma_wait3A_36] : memref<16x160x128xi32, #tpu.memory_space<hbm>> -> memref<1x80x128xi32, #tpu.memory_space<hbm>>
      %dma_wait3A_38 = tpu.memref_squeeze %dma_wait3A_37 : memref<1x80x128xi32, #tpu.memory_space<hbm>> -> memref<80x128xi32, #tpu.memory_space<hbm>>
      %dma_wait3A_39 = arith.constant 0 : i32
      %dma_wait3A_40 = tpu.memref_slice %arg4[%arg1, %select_n3A, %dma_wait3A_39] : memref<16x160x128xi32, #tpu.memory_space<hbm>> -> memref<1x80x128xi32, #tpu.memory_space<hbm>>
      %dma_wait3A_41 = tpu.memref_squeeze %dma_wait3A_40 : memref<1x80x128xi32, #tpu.memory_space<hbm>> -> memref<80x128xi32, #tpu.memory_space<hbm>>
      tpu.wait_dma2 semaphore(%run_scoped3A : memref<!tpu.dma_semaphore, #tpu.memory_space<semaphore_mem>>) src(%dma_wait3A_41 : memref<80x128xi32, #tpu.memory_space<hbm>>) dst(%arg8 : memref<80x128xi32, #tpu.memory_space<vmem>>)
      tpu.yield
    }) : () -> ()
    %dma_wait3A = arith.constant 0 : i32
    %dma_wait3A_13 = tpu.memref_slice %arg10[%mul3A_9, %dma_wait3A] : memref<10240x128xf32, #tpu.memory_space<vmem_shared>> -> memref<640x128xf32, #tpu.memory_space<vmem_shared>>
    %dma_wait3A_14 = arith.constant 0 : i32
    %dma_wait3A_15 = tpu.memref_slice %arg5[%mul3A_7, %dma_wait3A_14] : memref<10240x128xf32, #tpu.memory_space<hbm>> -> memref<640x128xf32, #tpu.memory_space<hbm>>
    tpu.wait_dma2 semaphore(%arg12 : memref<!tpu.dma_semaphore, #tpu.memory_space<semaphore_mem>>) src(%dma_wait3A_15 : memref<640x128xf32, #tpu.memory_space<hbm>>) dst(%dma_wait3A_13 : memref<640x128xf32, #tpu.memory_space<vmem_shared>>)
    %barrier3A = arith.constant 0 : index
    tpu.barrier barrier_id(%barrier3A)
    %while3A = arith.constant 0 : i32
    %while3A_16 = arith.constant 0 : i32
    %while3A_17 = arith.subi %select_n3A_6, %while3A_16 : i32
    %while3A_18 = arith.addi %while3A_16, %while3A_17 : i32
    %while3A_19 = arith.constant 1 : i32
    %while3A_20 = arith.divsi %while3A_17, %while3A_19 : i32
    %while3A_21 = arith.muli %while3A_20, %while3A_19 : i32
    %while3A_22 = arith.addi %while3A_16, %while3A_21 : i32
    %while3A_23 = arith.constant 1 : i32
    scf.for %while3A_30 = %while3A_16 to %while3A_22 step %while3A_23  : i32 {
      %dma_start3A_31 = arith.constant 0 : i32
      %dma_start3A_32 = tpu.memref_slice %arg7[%while3A_30, %dma_start3A_31] : memref<80x128xi32, #tpu.memory_space<vmem>> -> memref<1x128xi32, #tpu.memory_space<vmem>>
      %dma_start3A_33 = tpu.memref_squeeze %dma_start3A_32 : memref<1x128xi32, #tpu.memory_space<vmem>> -> memref<128xi32, #tpu.memory_space<vmem>>
      %dma_start3A_34 = arith.constant 0 : i32
      %dma_start3A_35 = arith.constant 0 : i32
      %dma_start3A_36 = tpu.memref_slice %arg2[%dma_start3A_34, %dma_start3A_35] : memref<10240x128xf32, #tpu.memory_space<hbm>> -> memref<10240x128xf32, #tpu.memory_space<hbm>>
      tpu.enqueue_indirect_dma source(%dma_start3A_36 : memref<10240x128xf32, #tpu.memory_space<hbm>>) target(%arg9 : memref<128x128xf32, #tpu.memory_space<vmem>>) offsets(%dma_start3A_33 : memref<128xi32, #tpu.memory_space<vmem>>) semaphore(%arg11 : memref<!tpu.dma_semaphore, #tpu.memory_space<semaphore_mem>>)
      %dma_wait3A_37 = arith.constant 0 : i32
      %dma_wait3A_38 = tpu.memref_slice %arg7[%while3A_30, %dma_wait3A_37] : memref<80x128xi32, #tpu.memory_space<vmem>> -> memref<1x128xi32, #tpu.memory_space<vmem>>
      %dma_wait3A_39 = tpu.memref_squeeze %dma_wait3A_38 : memref<1x128xi32, #tpu.memory_space<vmem>> -> memref<128xi32, #tpu.memory_space<vmem>>
      %dma_wait3A_40 = arith.constant 0 : i32
      %dma_wait3A_41 = arith.constant 0 : i32
      %dma_wait3A_42 = tpu.memref_slice %arg2[%dma_wait3A_40, %dma_wait3A_41] : memref<10240x128xf32, #tpu.memory_space<hbm>> -> memref<10240x128xf32, #tpu.memory_space<hbm>>
      tpu.wait_indirect_dma semaphore(%arg11 : memref<!tpu.dma_semaphore, #tpu.memory_space<semaphore_mem>>) src(%dma_wait3A_42 : memref<10240x128xf32, #tpu.memory_space<hbm>>) dst(%arg9 : memref<128x128xf32, #tpu.memory_space<vmem>>)
      "tpu.region"() ({
        %run_scoped3A = tpu.sem_alloc : memref<!tpu.dma_semaphore, #tpu.memory_space<semaphore_mem>>
        %dma_start3A_43 = arith.constant 0 : i32
        %dma_start3A_44 = tpu.memref_slice %arg8[%while3A_30, %dma_start3A_43] : memref<80x128xi32, #tpu.memory_space<vmem>> -> memref<1x128xi32, #tpu.memory_space<vmem>>
        %dma_start3A_45 = tpu.memref_squeeze %dma_start3A_44 : memref<1x128xi32, #tpu.memory_space<vmem>> -> memref<128xi32, #tpu.memory_space<vmem>>
        %dma_start3A_46 = arith.constant 0 : i32
        %dma_start3A_47 = arith.constant 0 : i32
        %dma_start3A_48 = tpu.memref_slice %arg10[%dma_start3A_46, %dma_start3A_47] : memref<10240x128xf32, #tpu.memory_space<vmem_shared>> -> memref<10240x128xf32, #tpu.memory_space<vmem_shared>>
        tpu.enqueue_indirect_dma source(%arg9 : memref<128x128xf32, #tpu.memory_space<vmem>>) target(%dma_start3A_48 : memref<10240x128xf32, #tpu.memory_space<vmem_shared>>) offsets(%dma_start3A_45 : memref<128xi32, #tpu.memory_space<vmem>>) semaphore(%run_scoped3A : memref<!tpu.dma_semaphore, #tpu.memory_space<semaphore_mem>>) {add = true}
        %dma_wait3A_49 = arith.constant 0 : i32
        %dma_wait3A_50 = tpu.memref_slice %arg8[%while3A_30, %dma_wait3A_49] : memref<80x128xi32, #tpu.memory_space<vmem>> -> memref<1x128xi32, #tpu.memory_space<vmem>>
        %dma_wait3A_51 = tpu.memref_squeeze %dma_wait3A_50 : memref<1x128xi32, #tpu.memory_space<vmem>> -> memref<128xi32, #tpu.memory_space<vmem>>
        %dma_wait3A_52 = arith.constant 0 : i32
        %dma_wait3A_53 = arith.constant 0 : i32
        %dma_wait3A_54 = tpu.memref_slice %arg10[%dma_wait3A_52, %dma_wait3A_53] : memref<10240x128xf32, #tpu.memory_space<vmem_shared>> -> memref<10240x128xf32, #tpu.memory_space<vmem_shared>>
        tpu.wait_indirect_dma semaphore(%run_scoped3A : memref<!tpu.dma_semaphore, #tpu.memory_space<semaphore_mem>>) src(%arg9 : memref<128x128xf32, #tpu.memory_space<vmem>>) dst(%dma_wait3A_54 : memref<10240x128xf32, #tpu.memory_space<vmem_shared>>)
        tpu.yield
      }) : () -> ()
    }
    %while3A_24 = arith.constant 1 : i32
    scf.for %while3A_30 = %while3A_22 to %while3A_18 step %while3A_24  : i32 {
      %dma_start3A_31 = arith.constant 0 : i32
      %dma_start3A_32 = tpu.memref_slice %arg7[%while3A_30, %dma_start3A_31] : memref<80x128xi32, #tpu.memory_space<vmem>> -> memref<1x128xi32, #tpu.memory_space<vmem>>
      %dma_start3A_33 = tpu.memref_squeeze %dma_start3A_32 : memref<1x128xi32, #tpu.memory_space<vmem>> -> memref<128xi32, #tpu.memory_space<vmem>>
      %dma_start3A_34 = arith.constant 0 : i32
      %dma_start3A_35 = arith.constant 0 : i32
      %dma_start3A_36 = tpu.memref_slice %arg2[%dma_start3A_34, %dma_start3A_35] : memref<10240x128xf32, #tpu.memory_space<hbm>> -> memref<10240x128xf32, #tpu.memory_space<hbm>>
      tpu.enqueue_indirect_dma source(%dma_start3A_36 : memref<10240x128xf32, #tpu.memory_space<hbm>>) target(%arg9 : memref<128x128xf32, #tpu.memory_space<vmem>>) offsets(%dma_start3A_33 : memref<128xi32, #tpu.memory_space<vmem>>) semaphore(%arg11 : memref<!tpu.dma_semaphore, #tpu.memory_space<semaphore_mem>>)
      %dma_wait3A_37 = arith.constant 0 : i32
      %dma_wait3A_38 = tpu.memref_slice %arg7[%while3A_30, %dma_wait3A_37] : memref<80x128xi32, #tpu.memory_space<vmem>> -> memref<1x128xi32, #tpu.memory_space<vmem>>
      %dma_wait3A_39 = tpu.memref_squeeze %dma_wait3A_38 : memref<1x128xi32, #tpu.memory_space<vmem>> -> memref<128xi32, #tpu.memory_space<vmem>>
      %dma_wait3A_40 = arith.constant 0 : i32
      %dma_wait3A_41 = arith.constant 0 : i32
      %dma_wait3A_42 = tpu.memref_slice %arg2[%dma_wait3A_40, %dma_wait3A_41] : memref<10240x128xf32, #tpu.memory_space<hbm>> -> memref<10240x128xf32, #tpu.memory_space<hbm>>
      tpu.wait_indirect_dma semaphore(%arg11 : memref<!tpu.dma_semaphore, #tpu.memory_space<semaphore_mem>>) src(%dma_wait3A_42 : memref<10240x128xf32, #tpu.memory_space<hbm>>) dst(%arg9 : memref<128x128xf32, #tpu.memory_space<vmem>>)
      "tpu.region"() ({
        %run_scoped3A = tpu.sem_alloc : memref<!tpu.dma_semaphore, #tpu.memory_space<semaphore_mem>>
        %dma_start3A_43 = arith.constant 0 : i32
        %dma_start3A_44 = tpu.memref_slice %arg8[%while3A_30, %dma_start3A_43] : memref<80x128xi32, #tpu.memory_space<vmem>> -> memref<1x128xi32, #tpu.memory_space<vmem>>
        %dma_start3A_45 = tpu.memref_squeeze %dma_start3A_44 : memref<1x128xi32, #tpu.memory_space<vmem>> -> memref<128xi32, #tpu.memory_space<vmem>>
        %dma_start3A_46 = arith.constant 0 : i32
        %dma_start3A_47 = arith.constant 0 : i32
        %dma_start3A_48 = tpu.memref_slice %arg10[%dma_start3A_46, %dma_start3A_47] : memref<10240x128xf32, #tpu.memory_space<vmem_shared>> -> memref<10240x128xf32, #tpu.memory_space<vmem_shared>>
        tpu.enqueue_indirect_dma source(%arg9 : memref<128x128xf32, #tpu.memory_space<vmem>>) target(%dma_start3A_48 : memref<10240x128xf32, #tpu.memory_space<vmem_shared>>) offsets(%dma_start3A_45 : memref<128xi32, #tpu.memory_space<vmem>>) semaphore(%run_scoped3A : memref<!tpu.dma_semaphore, #tpu.memory_space<semaphore_mem>>) {add = true}
        %dma_wait3A_49 = arith.constant 0 : i32
        %dma_wait3A_50 = tpu.memref_slice %arg8[%while3A_30, %dma_wait3A_49] : memref<80x128xi32, #tpu.memory_space<vmem>> -> memref<1x128xi32, #tpu.memory_space<vmem>>
        %dma_wait3A_51 = tpu.memref_squeeze %dma_wait3A_50 : memref<1x128xi32, #tpu.memory_space<vmem>> -> memref<128xi32, #tpu.memory_space<vmem>>
        %dma_wait3A_52 = arith.constant 0 : i32
        %dma_wait3A_53 = arith.constant 0 : i32
        %dma_wait3A_54 = tpu.memref_slice %arg10[%dma_wait3A_52, %dma_wait3A_53] : memref<10240x128xf32, #tpu.memory_space<vmem_shared>> -> memref<10240x128xf32, #tpu.memory_space<vmem_shared>>
        tpu.wait_indirect_dma semaphore(%run_scoped3A : memref<!tpu.dma_semaphore, #tpu.memory_space<semaphore_mem>>) src(%arg9 : memref<128x128xf32, #tpu.memory_space<vmem>>) dst(%dma_wait3A_54 : memref<10240x128xf32, #tpu.memory_space<vmem_shared>>)
        tpu.yield
      }) : () -> ()
    }
    %barrier3A_25 = arith.constant 0 : index
    tpu.barrier barrier_id(%barrier3A_25)
    %mul3A_26 = arith.constant 640 : i32
    %mul3A_27 = arith.muli %arg1, %mul3A_26 : i32
    %mul3A_28 = arith.constant 640 : i32
    %mul3A_29 = arith.muli %arg1, %mul3A_28 : i32
    "tpu.region"() ({
      %run_scoped3A = tpu.sem_alloc : memref<!tpu.dma_semaphore, #tpu.memory_space<semaphore_mem>>
      %dma_start3A_30 = arith.constant 0 : i32
      %dma_start3A_31 = tpu.memref_slice %arg6[%arg0, %mul3A_29, %dma_start3A_30] : memref<2x10240x128xf32, #tpu.memory_space<hbm>> -> memref<1x640x128xf32, #tpu.memory_space<hbm>>
      %dma_start3A_32 = tpu.memref_squeeze %dma_start3A_31 : memref<1x640x128xf32, #tpu.memory_space<hbm>> -> memref<640x128xf32, #tpu.memory_space<hbm>>
      %dma_start3A_33 = arith.constant 0 : i32
      %dma_start3A_34 = tpu.memref_slice %arg10[%mul3A_27, %dma_start3A_33] : memref<10240x128xf32, #tpu.memory_space<vmem_shared>> -> memref<640x128xf32, #tpu.memory_space<vmem_shared>>
      tpu.enqueue_dma source(%dma_start3A_34 : memref<640x128xf32, #tpu.memory_space<vmem_shared>>) target(%dma_start3A_32 : memref<640x128xf32, #tpu.memory_space<hbm>>) target_semaphore(%run_scoped3A : memref<!tpu.dma_semaphore, #tpu.memory_space<semaphore_mem>>)
      %dma_wait3A_35 = arith.constant 0 : i32
      %dma_wait3A_36 = tpu.memref_slice %arg6[%arg0, %mul3A_29, %dma_wait3A_35] : memref<2x10240x128xf32, #tpu.memory_space<hbm>> -> memref<1x640x128xf32, #tpu.memory_space<hbm>>
      %dma_wait3A_37 = tpu.memref_squeeze %dma_wait3A_36 : memref<1x640x128xf32, #tpu.memory_space<hbm>> -> memref<640x128xf32, #tpu.memory_space<hbm>>
      %dma_wait3A_38 = arith.constant 0 : i32
      %dma_wait3A_39 = tpu.memref_slice %arg10[%mul3A_27, %dma_wait3A_38] : memref<10240x128xf32, #tpu.memory_space<vmem_shared>> -> memref<640x128xf32, #tpu.memory_space<vmem_shared>>
      tpu.wait_dma2 semaphore(%run_scoped3A : memref<!tpu.dma_semaphore, #tpu.memory_space<semaphore_mem>>) src(%dma_wait3A_39 : memref<640x128xf32, #tpu.memory_space<vmem_shared>>) dst(%dma_wait3A_37 : memref<640x128xf32, #tpu.memory_space<hbm>>)
      tpu.yield
    }) : () -> ()
    return
  }
}

module attributes {stable_mosaic.version = 14 : i64} {
  func.func @_mm_body(%arg0: i32, %arg1: memref<512x128xf32, #tpu.memory_space<vmem>>, %arg2: memref<128x128xf32, #tpu.memory_space<vmem>>, %arg3: memref<512x128xf32, #tpu.memory_space<vmem>>) attributes {dimension_semantics = [#tpu.dimension_semantics<arbitrary>], iteration_bounds = array<i64: 20>, scalar_prefetch = 0 : i64, scratch_operands = 0 : i64, tpu.core_type = #tpu.core_type<tc>, window_params = [{transform_indices = @transform_0, window_bounds = array<i64: 512, 128>}, {pipeline_mode = #tpu.pipeline_mode<synchronous>, transform_indices = @transform_1, window_bounds = array<i64: 128, 128>}, {transform_indices = @transform_2, window_bounds = array<i64: 512, 128>}]} {
    %get3A = arith.constant 0 : index
    %get3A_0 = arith.constant 0 : index
    %get3A_1 = vector.load %arg1[%get3A, %get3A_0] : memref<512x128xf32, #tpu.memory_space<vmem>>, vector<512x128xf32>
    %get3A_2 = arith.constant 0 : index
    %get3A_3 = arith.constant 0 : index
    %get3A_4 = vector.load %arg2[%get3A_2, %get3A_3] : memref<128x128xf32, #tpu.memory_space<vmem>>, vector<128x128xf32>
    %dot_general3A = arith.constant dense<0.000000e+00> : vector<512x128xf32>
    %dot_general3A_5 = tpu.matmul %get3A_1, %get3A_4, %dot_general3A {dimension_numbers = #tpu.dot_dimension_numbers<[1], [0], [0], [1], [0, 0, 1, 1], [], []>, transpose_lhs_hint = false} : vector<512x128xf32>, vector<128x128xf32>, vector<512x128xf32> -> vector<512x128xf32>
    %swap3A = arith.constant 0 : index
    %swap3A_6 = arith.constant 0 : index
    %swap3A_7 = vector.load %arg3[%swap3A, %swap3A_6] : memref<512x128xf32, #tpu.memory_space<vmem>>, vector<512x128xf32>
    tpu.vector_store %arg3[%swap3A, %swap3A_6], %dot_general3A_5 {strides = array<i32>} : memref<512x128xf32, #tpu.memory_space<vmem>>, vector<512x128xf32>,
    return
  }
  func.func @transform_0(%arg0: i32) -> (i32, i32) {
    %c0_i32 = arith.constant 0 : i32
    %c0_i32_0 = arith.constant 0 : i32
    return %arg0, %c0_i32 : i32, i32
  }
  func.func @transform_1(%arg0: i32) -> (i32, i32) {
    %c0_i32 = arith.constant 0 : i32
    %c0_i32_0 = arith.constant 0 : i32
    %c0_i32_1 = arith.constant 0 : i32
    return %c0_i32, %c0_i32_0 : i32, i32
  }
  func.func @transform_2(%arg0: i32) -> (i32, i32) {
    %c0_i32 = arith.constant 0 : i32
    %c0_i32_0 = arith.constant 0 : i32
    return %arg0, %c0_i32 : i32, i32
  }
}

module attributes {stable_mosaic.version = 14 : i64} {
  func.func @_scale_body(%arg0: i32, %arg1: memref<512x128xf32, #tpu.memory_space<vmem>>, %arg2: memref<512x1xf32, #tpu.memory_space<vmem>>, %arg3: memref<512x1xf32, #tpu.memory_space<vmem>>, %arg4: memref<512x128xf32, #tpu.memory_space<vmem>>, %arg5: memref<512x1xf32, #tpu.memory_space<vmem>>) attributes {dimension_semantics = [#tpu.dimension_semantics<arbitrary>], iteration_bounds = array<i64: 20>, scalar_prefetch = 0 : i64, scratch_operands = 0 : i64, tpu.core_type = #tpu.core_type<tc>, window_params = [{transform_indices = @transform_0, window_bounds = array<i64: 512, 128>}, {transform_indices = @transform_1, window_bounds = array<i64: 512, 1>}, {transform_indices = @transform_2, window_bounds = array<i64: 512, 1>}, {transform_indices = @transform_3, window_bounds = array<i64: 512, 128>}, {transform_indices = @transform_4, window_bounds = array<i64: 512, 1>}]} {
    %get3A = arith.constant 0 : index
    %get3A_0 = arith.constant 0 : index
    %get3A_1 = vector.load %arg2[%get3A, %get3A_0] : memref<512x1xf32, #tpu.memory_space<vmem>>, vector<512x1xf32>
    %get3A_2 = arith.constant 0 : index
    %get3A_3 = arith.constant 0 : index
    %get3A_4 = vector.load %arg3[%get3A_2, %get3A_3] : memref<512x1xf32, #tpu.memory_space<vmem>>, vector<512x1xf32>
    %add3A = arith.addf %get3A_1, %get3A_4 : vector<512x1xf32>
    %add3A_5 = arith.constant 1.000000e+00 : f32
    %add3A_6 = vector.broadcast %add3A_5 : f32 to vector<512x1xf32>
    %add3A_7 = arith.addf %add3A, %add3A_6 : vector<512x1xf32>
    %rsqrt3A = math.rsqrt %add3A_7 : vector<512x1xf32>
    %swap3A = arith.constant 0 : index
    %swap3A_8 = arith.constant 0 : index
    %swap3A_9 = vector.load %arg5[%swap3A, %swap3A_8] : memref<512x1xf32, #tpu.memory_space<vmem>>, vector<512x1xf32>
    tpu.vector_store %arg5[%swap3A, %swap3A_8], %rsqrt3A {strides = array<i32>} : memref<512x1xf32, #tpu.memory_space<vmem>>, vector<512x1xf32>,
    %get3A_10 = arith.constant 0 : index
    %get3A_11 = arith.constant 0 : index
    %get3A_12 = vector.load %arg1[%get3A_10, %get3A_11] : memref<512x128xf32, #tpu.memory_space<vmem>>, vector<512x128xf32>
    %mul3A = vector.broadcast %rsqrt3A : vector<512x1xf32> to vector<512x128xf32>
    %mul3A_13 = arith.mulf %get3A_12, %mul3A : vector<512x128xf32>
    %swap3A_14 = arith.constant 0 : index
    %swap3A_15 = arith.constant 0 : index
    %swap3A_16 = vector.load %arg4[%swap3A_14, %swap3A_15] : memref<512x128xf32, #tpu.memory_space<vmem>>, vector<512x128xf32>
    tpu.vector_store %arg4[%swap3A_14, %swap3A_15], %mul3A_13 {strides = array<i32>} : memref<512x128xf32, #tpu.memory_space<vmem>>, vector<512x128xf32>,
    return
  }
  func.func @transform_0(%arg0: i32) -> (i32, i32) {
    %c0_i32 = arith.constant 0 : i32
    %c0_i32_0 = arith.constant 0 : i32
    return %arg0, %c0_i32 : i32, i32
  }
  func.func @transform_1(%arg0: i32) -> (i32, i32) {
    %c0_i32 = arith.constant 0 : i32
    %c0_i32_0 = arith.constant 0 : i32
    return %arg0, %c0_i32 : i32, i32
  }
  func.func @transform_2(%arg0: i32) -> (i32, i32) {
    %c0_i32 = arith.constant 0 : i32
    %c0_i32_0 = arith.constant 0 : i32
    return %arg0, %c0_i32 : i32, i32
  }
  func.func @transform_3(%arg0: i32) -> (i32, i32) {
    %c0_i32 = arith.constant 0 : i32
    %c0_i32_0 = arith.constant 0 : i32
    return %arg0, %c0_i32 : i32, i32
  }
  func.func @transform_4(%arg0: i32) -> (i32, i32) {
    %c0_i32 = arith.constant 0 : i32
    %c0_i32_0 = arith.constant 0 : i32
    return %arg0, %c0_i32 : i32, i32
  }
}

module attributes {stable_mosaic.version = 14 : i64} {
  func.func @_layer_body(%arg0: i32, %arg1: memref<512x128xf32, #tpu.memory_space<vmem>>, %arg2: memref<512x128xf32, #tpu.memory_space<vmem>>, %arg3: memref<512x128xf32, #tpu.memory_space<vmem>>, %arg4: memref<512x1xf32, #tpu.memory_space<vmem>>, %arg5: memref<1x128xf32, #tpu.memory_space<vmem>>, %arg6: memref<128x128xf32, #tpu.memory_space<vmem>>, %arg7: memref<512x128xf32, #tpu.memory_space<vmem>>) attributes {dimension_semantics = [#tpu.dimension_semantics<arbitrary>], iteration_bounds = array<i64: 20>, scalar_prefetch = 0 : i64, scratch_operands = 0 : i64, tpu.core_type = #tpu.core_type<tc>, window_params = [{transform_indices = @transform_0, window_bounds = array<i64: 512, 128>}, {transform_indices = @transform_1, window_bounds = array<i64: 512, 128>}, {transform_indices = @transform_2, window_bounds = array<i64: 512, 128>}, {transform_indices = @transform_3, window_bounds = array<i64: 512, 1>}, {pipeline_mode = #tpu.pipeline_mode<synchronous>, transform_indices = @transform_4, window_bounds = array<i64: 1, 128>}, {pipeline_mode = #tpu.pipeline_mode<synchronous>, transform_indices = @transform_5, window_bounds = array<i64: 128, 128>}, {transform_indices = @transform_6, window_bounds = array<i64: 512, 128>}]} {
    %get3A = arith.constant 0 : index
    %get3A_0 = arith.constant 0 : index
    %get3A_1 = vector.load %arg1[%get3A, %get3A_0] : memref<512x128xf32, #tpu.memory_space<vmem>>, vector<512x128xf32>
    %get3A_2 = arith.constant 0 : index
    %get3A_3 = arith.constant 0 : index
    %get3A_4 = vector.load %arg2[%get3A_2, %get3A_3] : memref<512x128xf32, #tpu.memory_space<vmem>>, vector<512x128xf32>
    %add3A = arith.addf %get3A_1, %get3A_4 : vector<512x128xf32>
    %get3A_5 = arith.constant 0 : index
    %get3A_6 = arith.constant 0 : index
    %get3A_7 = vector.load %arg3[%get3A_5, %get3A_6] : memref<512x128xf32, #tpu.memory_space<vmem>>, vector<512x128xf32>
    %add3A_8 = arith.addf %add3A, %get3A_7 : vector<512x128xf32>
    %get3A_9 = arith.constant 0 : index
    %get3A_10 = arith.constant 0 : index
    %get3A_11 = vector.load %arg4[%get3A_9, %get3A_10] : memref<512x1xf32, #tpu.memory_space<vmem>>, vector<512x1xf32>
    %mul3A = vector.broadcast %get3A_11 : vector<512x1xf32> to vector<512x128xf32>
    %mul3A_12 = arith.mulf %add3A_8, %mul3A : vector<512x128xf32>
    %get3A_13 = arith.constant 0 : index
    %get3A_14 = arith.constant 0 : index
    %get3A_15 = vector.load %arg5[%get3A_13, %get3A_14] : memref<1x128xf32, #tpu.memory_space<vmem>>, vector<1x128xf32>
    %add3A_16 = vector.broadcast %get3A_15 : vector<1x128xf32> to vector<512x128xf32>
    %add3A_17 = arith.addf %mul3A_12, %add3A_16 : vector<512x128xf32>
    %max3A = arith.constant 0.000000e+00 : f32
    %max3A_18 = vector.broadcast %max3A : f32 to vector<512x128xf32>
    %max3A_19 = arith.maximumf %add3A_17, %max3A_18 : vector<512x128xf32>
    %get3A_20 = arith.constant 0 : index
    %get3A_21 = arith.constant 0 : index
    %get3A_22 = vector.load %arg6[%get3A_20, %get3A_21] : memref<128x128xf32, #tpu.memory_space<vmem>>, vector<128x128xf32>
    %dot_general3A = arith.constant dense<0.000000e+00> : vector<512x128xf32>
    %dot_general3A_23 = tpu.matmul %max3A_19, %get3A_22, %dot_general3A {dimension_numbers = #tpu.dot_dimension_numbers<[1], [0], [0], [1], [0, 0, 1, 1], [], []>, transpose_lhs_hint = false} : vector<512x128xf32>, vector<128x128xf32>, vector<512x128xf32> -> vector<512x128xf32>
    %get3A_24 = arith.constant 0 : index
    %get3A_25 = arith.constant 0 : index
    %get3A_26 = vector.load %arg4[%get3A_24, %get3A_25] : memref<512x1xf32, #tpu.memory_space<vmem>>, vector<512x1xf32>
    %mul3A_27 = vector.broadcast %get3A_26 : vector<512x1xf32> to vector<512x128xf32>
    %mul3A_28 = arith.mulf %dot_general3A_23, %mul3A_27 : vector<512x128xf32>
    %swap3A = arith.constant 0 : index
    %swap3A_29 = arith.constant 0 : index
    %swap3A_30 = vector.load %arg7[%swap3A, %swap3A_29] : memref<512x128xf32, #tpu.memory_space<vmem>>, vector<512x128xf32>
    tpu.vector_store %arg7[%swap3A, %swap3A_29], %mul3A_28 {strides = array<i32>} : memref<512x128xf32, #tpu.memory_space<vmem>>, vector<512x128xf32>,
    return
  }
  func.func @transform_0(%arg0: i32) -> (i32, i32) {
    %c0_i32 = arith.constant 0 : i32
    %c0_i32_0 = arith.constant 0 : i32
    return %arg0, %c0_i32 : i32, i32
  }
  func.func @transform_1(%arg0: i32) -> (i32, i32) {
    %c0_i32 = arith.constant 0 : i32
    %c0_i32_0 = arith.constant 0 : i32
    return %arg0, %c0_i32 : i32, i32
  }
  func.func @transform_2(%arg0: i32) -> (i32, i32) {
    %c0_i32 = arith.constant 0 : i32
    %c0_i32_0 = arith.constant 0 : i32
    return %arg0, %c0_i32 : i32, i32
  }
  func.func @transform_3(%arg0: i32) -> (i32, i32) {
    %c0_i32 = arith.constant 0 : i32
    %c0_i32_0 = arith.constant 0 : i32
    return %arg0, %c0_i32 : i32, i32
  }
  func.func @transform_4(%arg0: i32) -> (i32, i32) {
    %c0_i32 = arith.constant 0 : i32
    %c0_i32_0 = arith.constant 0 : i32
    %c0_i32_1 = arith.constant 0 : i32
    return %c0_i32, %c0_i32_0 : i32, i32
  }
  func.func @transform_5(%arg0: i32) -> (i32, i32) {
    %c0_i32 = arith.constant 0 : i32
    %c0_i32_0 = arith.constant 0 : i32
    %c0_i32_1 = arith.constant 0 : i32
    return %c0_i32, %c0_i32_0 : i32, i32
  }
  func.func @transform_6(%arg0: i32) -> (i32, i32) {
    %c0_i32 = arith.constant 0 : i32
    %c0_i32_0 = arith.constant 0 : i32
    return %arg0, %c0_i32 : i32, i32
  }
}

module attributes {stable_mosaic.version = 14 : i64} {
  func.func @_final_body(%arg0: i32, %arg1: memref<400x128xf32, #tpu.memory_space<vmem>>, %arg2: memref<400x128xf32, #tpu.memory_space<vmem>>, %arg3: memref<400x128xf32, #tpu.memory_space<vmem>>, %arg4: memref<400x1xf32, #tpu.memory_space<vmem>>, %arg5: memref<1x128xf32, #tpu.memory_space<vmem>>, %arg6: memref<400x128xf32, #tpu.memory_space<vmem>>) attributes {dimension_semantics = [#tpu.dimension_semantics<arbitrary>], iteration_bounds = array<i64: 25>, scalar_prefetch = 0 : i64, scratch_operands = 0 : i64, tpu.core_type = #tpu.core_type<tc>, window_params = [{transform_indices = @transform_0, window_bounds = array<i64: 400, 128>}, {transform_indices = @transform_1, window_bounds = array<i64: 400, 128>}, {transform_indices = @transform_2, window_bounds = array<i64: 400, 128>}, {transform_indices = @transform_3, window_bounds = array<i64: 400, 1>}, {pipeline_mode = #tpu.pipeline_mode<synchronous>, transform_indices = @transform_4, window_bounds = array<i64: 1, 128>}, {transform_indices = @transform_5, window_bounds = array<i64: 400, 128>}]} {
    %get3A = arith.constant 0 : index
    %get3A_0 = arith.constant 0 : index
    %get3A_1 = vector.load %arg1[%get3A, %get3A_0] : memref<400x128xf32, #tpu.memory_space<vmem>>, vector<400x128xf32>
    %get3A_2 = arith.constant 0 : index
    %get3A_3 = arith.constant 0 : index
    %get3A_4 = vector.load %arg2[%get3A_2, %get3A_3] : memref<400x128xf32, #tpu.memory_space<vmem>>, vector<400x128xf32>
    %add3A = arith.addf %get3A_1, %get3A_4 : vector<400x128xf32>
    %get3A_5 = arith.constant 0 : index
    %get3A_6 = arith.constant 0 : index
    %get3A_7 = vector.load %arg3[%get3A_5, %get3A_6] : memref<400x128xf32, #tpu.memory_space<vmem>>, vector<400x128xf32>
    %add3A_8 = arith.addf %add3A, %get3A_7 : vector<400x128xf32>
    %get3A_9 = arith.constant 0 : index
    %get3A_10 = arith.constant 0 : index
    %get3A_11 = vector.load %arg4[%get3A_9, %get3A_10] : memref<400x1xf32, #tpu.memory_space<vmem>>, vector<400x1xf32>
    %mul3A = vector.broadcast %get3A_11 : vector<400x1xf32> to vector<400x128xf32>
    %mul3A_12 = arith.mulf %add3A_8, %mul3A : vector<400x128xf32>
    %get3A_13 = arith.constant 0 : index
    %get3A_14 = arith.constant 0 : index
    %get3A_15 = vector.load %arg5[%get3A_13, %get3A_14] : memref<1x128xf32, #tpu.memory_space<vmem>>, vector<1x128xf32>
    %add3A_16 = vector.broadcast %get3A_15 : vector<1x128xf32> to vector<400x128xf32>
    %add3A_17 = arith.addf %mul3A_12, %add3A_16 : vector<400x128xf32>
    %max3A = arith.constant 0.000000e+00 : f32
    %max3A_18 = vector.broadcast %max3A : f32 to vector<400x128xf32>
    %max3A_19 = arith.maximumf %add3A_17, %max3A_18 : vector<400x128xf32>
    %swap3A = arith.constant 0 : index
    %swap3A_20 = arith.constant 0 : index
    %swap3A_21 = vector.load %arg6[%swap3A, %swap3A_20] : memref<400x128xf32, #tpu.memory_space<vmem>>, vector<400x128xf32>
    tpu.vector_store %arg6[%swap3A, %swap3A_20], %max3A_19 {strides = array<i32>} : memref<400x128xf32, #tpu.memory_space<vmem>>, vector<400x128xf32>,
    return
  }
  func.func @transform_0(%arg0: i32) -> (i32, i32) {
    %c0_i32 = arith.constant 0 : i32
    %c0_i32_0 = arith.constant 0 : i32
    return %arg0, %c0_i32 : i32, i32
  }
  func.func @transform_1(%arg0: i32) -> (i32, i32) {
    %c0_i32 = arith.constant 0 : i32
    %c0_i32_0 = arith.constant 0 : i32
    return %arg0, %c0_i32 : i32, i32
  }
  func.func @transform_2(%arg0: i32) -> (i32, i32) {
    %c0_i32 = arith.constant 0 : i32
    %c0_i32_0 = arith.constant 0 : i32
    return %arg0, %c0_i32 : i32, i32
  }
  func.func @transform_3(%arg0: i32) -> (i32, i32) {
    %c0_i32 = arith.constant 0 : i32
    %c0_i32_0 = arith.constant 0 : i32
    return %arg0, %c0_i32 : i32, i32
  }
  func.func @transform_4(%arg0: i32) -> (i32, i32) {
    %c0_i32 = arith.constant 0 : i32
    %c0_i32_0 = arith.constant 0 : i32
    %c0_i32_1 = arith.constant 0 : i32
    return %c0_i32, %c0_i32_0 : i32, i32
  }
  func.func @transform_5(%arg0: i32) -> (i32, i32) {
    %c0_i32 = arith.constant 0 : i32
    %c0_i32_0 = arith.constant 0 : i32
    return %arg0, %c0_i32 : i32, i32
  }
}

</mosaic_0001>

<sc_bundles>
// kernel: kernel.12.cloned.1.call-start
scs
__scs_entry_jumppad:
0x0: {  	(pc) =	sbr.rel $0x88, $3  }
0x1: {  	(tag) =	ssettag $0x0;
	lr =	simm.s32 $0x1  }
0x2: {  	[smem:$0x3F9B] =	sst lr;
	_ =	strace $0xD0000000  }
0x3: {  	_ = 	snop  }
0x4: {  	_ = 	snop  }
0x5: {  	_ = 	snop  }
0x6: {  	_ = 	snop  }
0x7: {  	_ = 	snop  }
__scs_overlays_trampoline_lowered:
0x8: {  	[smem:$0x3FAA] =	sst s0  }
0x9: {  	[smem:$0x3FAB] =	sst s1  }
0xa: {  	[smem:$0x3FAC] =	sst s2  }
0xb: {  	[smem:$0x3FAD] =	sst s3  }
0xc: {  	[smem:$0x3FAE] =	sst s4  }
0xd: {  	[smem:$0x3FAF] =	sst s5  }
0xe: {  	[smem:$0x3FB0] =	sst s6  }
0xf: {  	[smem:$0x3FB1] =	sst s7  }
0x10: {  	[smem:$0x3FB2] =	sst s8  }
0x11: {  	[smem:$0x3FB3] =	sst s9;
	s0 =	simm.s32 @!p0 $0x0  }
0x12: {  	s1 =	sld [smem:$0x3F99];
	s0 =	simm.s32 @p0 $0x1  }
0x13: {  	[smem:$0x3FB4] =	sst s0;
	s0 =	simm.s32 @!p1 $0x0  }
0x14: {  	s2 =	sld [smem:$0x3F98];
	s0 =	simm.s32 @p1 $0x1  }
0x15: {  	[smem:$0x3FB5] =	sst s0;
	s0 =	simm.s32 @!p2 $0x0  }
0x16: {  	s3 =	sld [smem:$0x3FDB];
	s0 =	simm.s32 @p2 $0x1  }
0x17: {  	s4 =	simm.s32 $0x1BF5;
	[smem:$0x3FB7] =	sst s0  }
0x18: {  	s0 =	sld [smem:$0x3F9A];
	_ =	swait.ge [sflag:s4], $0x0  }
0x19: {  	s7 =	sld [smem:$0x3F9B]  }
0x1a: {  	s8 =	sadd.s32 $0xFFFFE003, lr  }
0x1b: {  	s9 =	sadd.s32 $0xFFFFFEF7, lr;
	s5 =	simm.s32 $0xFFFFFFFF;
	p2 =	slt.u32 s8, $0xFFFFF086  }
0x1c: {  	p1 =	slt.u32 s9, $0xF7A;
	s5 =	simm.s32 @!p2 $0x0  }
0x1d: {  	s5 =	simm.s32 @p1 $0x1;
	p0 =	seq.s32 s7, s2  }
0x1e: {  	s7 =	smul.u32 @!p0 $0xF7A, s2;
	p2 =	seq.s32 @!p0 s5, $0x0  }
0x1f: {  	s9 =	smul.u32 $0xF7A, s1;
	s8 =	simm.s32 @!p0 $0x1BF5;
	p2 =	por !p2, p0  }
0x20: {  	[sflag:s8] =	ssyncset.s32 @!p0 $0xFFFFF086;
	s6 =	sadd.s32 @!p0 s3, s7;
	s7 =	simm.s32 @!p0 $0x108  }
0x21: {  	s3 =	sadd.s32 s3, s9;
	s6 =	sadd.s32 @!p0 $0x88, s6;
	s7 =	simm.s32 @p2 $0x1082  }
0x22: {  	[simem:s7], [sflag:s8] =	dma.local @!p0 [hbm:s6], $0xF7A  }
0x23: {  	s9 =	sor.u32 $0xD0000000, s2;
	s6 =	simm.s32 $0x108;
	_ =	swait.ge @!p0 [sflag:s8], $0x0  }
0x24: {  	s3 =	sadd.s32 $0x88, s3;
	s6 =	simm.s32 @!p1 $0x1082;
	[sflag:s4] =	ssyncset.s32 $0xFFFFF086  }
0x25: {  	[simem:s6], [sflag:s4] =	dma.local [hbm:s3], $0xF7A  }
0x26: {  	[smem:$0x3F9B] =	sst s1;
	(tag) =	ssettag s2;
	_ =	strace s9  }
0x27: {  	s1 =	sld [smem:$0x3FAB]  }
0x28: {  	s2 =	sld [smem:$0x3FAC]  }
0x29: {  	s4 =	sld [smem:$0x3FAE]  }
0x2a: {  	p0 =	seq.s32 s5, $0x0;
	s5 =	sld [smem:$0x3FAF]  }
0x2b: {  	s6 =	sld [smem:$0x3FB0]  }
0x2c: {  	s7 =	sld [smem:$0x3FB1]  }
0x2d: {  	s3 =	simm.s32 $0x108;
	s8 =	sld [smem:$0x3FB2]  }
0x2e: {  	s3 =	simm.s32 @!p0 $0x1082;
	s9 =	sld [smem:$0x3FB3]  }
0x2f: {  	lr =	sadd.s32 s0, s3;
	s0 =	sld [smem:$0x3FAA]  }
0x30: {  	s3 =	sld [smem:$0x3FAD]  }
0x31: {  	[smem:$0x3FB6] =	sst s10  }
0x32: {  	s10 =	sld [smem:$0x3FB4];
	_ =	sdelay $0x3  }
0x33: {  	p0 =	seq.s32 s10, $0x1;
	s10 =	sld [smem:$0x3FB6];
	_ =	sdelay $0x3  }
0x34: {  	[smem:$0x3FB6] =	sst s10  }
0x35: {  	s10 =	sld [smem:$0x3FB5];
	_ =	sdelay $0x3  }
0x36: {  	p1 =	seq.s32 s10, $0x1;
	s10 =	sld [smem:$0x3FB6];
	_ =	sdelay $0x3  }
0x37: {  	[smem:$0x3FB6] =	sst s10  }
0x38: {  	s10 =	sld [smem:$0x3FB7]  }
0x39: {  	_ = 	snop;
	(pc) =	sbr.ind lr, $3  }
0x3a: {  	_ = 	snop  }
0x3b: {  	_ = 	snop  }
0x3c: {  	p2 =	seq.s32 s10, $0x1;
	s10 =	sld [smem:$0x3FB6]  }
0x3d: {  	_ =	shalt  }
0x3e: {  	_ =	shalt  }
0x3f: {  	_ =	shalt  }
0x40: {  	_ =	shalt  }
0x41: {  	_ =	shalt  }
0x42: {  	_ =	shalt  }
0x43: {  	_ =	shalt  }
0x44: {  	_ =	shalt  }
0x45: {  	_ =	shalt  }
0x46: {  	_ =	shalt  }
0x47: {  	_ =	shalt  }
0x48: {  	_ =	shalt  }
0x49: {  	_ =	shalt  }
0x4a: {  	_ =	shalt  }
0x4b: {  	_ =	shalt  }
0x4c: {  	_ =	shalt  }
0x4d: {  	_ =	shalt  }
0x4e: {  	_ =	shalt  }
0x4f: {  	_ =	shalt  }
0x50: {  	_ =	shalt  }
0x51: {  	_ =	shalt  }
0x52: {  	_ =	shalt  }
0x53: {  	_ =	shalt  }
0x54: {  	_ =	shalt  }
0x55: {  	_ =	shalt  }
0x56: {  	_ =	shalt  }
0x57: {  	_ =	shalt  }
0x58: {  	_ =	shalt  }
0x59: {  	_ =	shalt  }
0x5a: {  	_ =	shalt  }
0x5b: {  	_ =	shalt  }
0x5c: {  	_ =	shalt  }
0x5d: {  	_ =	shalt  }
0x5e: {  	_ =	shalt  }
0x5f: {  	_ =	shalt  }
0x60: {  	_ =	shalt  }
0x61: {  	_ =	shalt  }
0x62: {  	_ =	shalt  }
0x63: {  	_ =	shalt  }
0x64: {  	_ =	shalt  }
0x65: {  	_ =	shalt  }
0x66: {  	_ =	shalt  }
0x67: {  	_ =	shalt  }
0x68: {  	_ =	shalt  }
0x69: {  	_ =	shalt  }
0x6a: {  	_ =	shalt  }
0x6b: {  	_ =	shalt  }
0x6c: {  	_ =	shalt  }
0x6d: {  	_ =	shalt  }
0x6e: {  	_ =	shalt  }
0x6f: {  	_ =	shalt  }
0x70: {  	_ =	shalt  }
0x71: {  	_ =	shalt  }
0x72: {  	_ =	shalt  }
0x73: {  	_ =	shalt  }
0x74: {  	_ =	shalt  }
0x75: {  	_ =	shalt  }
0x76: {  	_ =	shalt  }
0x77: {  	_ =	shalt  }
0x78: {  	_ =	shalt  }
0x79: {  	_ =	shalt  }
0x7a: {  	_ =	shalt  }
0x7b: {  	_ =	shalt  }
0x7c: {  	_ =	shalt  }
0x7d: {  	_ =	shalt  }
0x7e: {  	_ =	shalt  }
0x7f: {  	_ =	shalt  }
0x80: {  	_ =	shalt  }
0x81: {  	_ =	shalt  }
0x82: {  	_ =	shalt  }
0x83: {  	_ =	shalt  }
0x84: {  	_ =	shalt  }
0x85: {  	_ =	shalt  }
0x86: {  	_ =	shalt  }
0x87: {  	_ =	shalt  }
.Lfunc_end0:
.L_simem_size_0:
called_computation.1_lowered:
.L_overlay_start_0:
0x88: {  	s2 =	sld [smem:$0x3FD9]  }
0x89: {  	s3 =	sld [smem:$0x3FFE];
	_ =	sdelay $0x1  }
0x8a: {  	s1 =	srdreg.scid  }
0x8b: {  	s0 =	sand.u32 $0x1, s1  }
0x8c: {  	s17 =	sshll.u32 s0, $0xA;
	s2 =	sadd.s32 s3, s2  }
0x8d: {  	s2 =	sadd.s32 s2, s17  }
0x8e: {  	[smem:$0x3FC2] =	sst s2  }
0x8f: {  	_ = 	snop  }
0x90: {  	s2 =	sld [smem:$0x3FD0];
	(tm) =	ssettm $0x1  }
0x91: {  	s18 =	sld [smem:$0x3FFB];
	_ =	sdelay $0x3  }
0x92: {  	_ =	strace s18  }
0x93: {  	s3 =	sld [smem:$0x3FFC];
	_ =	sdelay $0x3  }
0x94: {  	_ =	strace s3  }
0x95: {  	s3 =	sld [smem:$0x3FFD];
	_ =	sdelay $0x3  }
0x96: {  	_ =	strace s3  }
0x97: {  	_ =	strace $0x8FFFFFFF  }
0x98: {  	s19 =	sld [smem:$0x3FDB];
	_ =	sdelay $0x1  }
0x99: {  	s4 =	simm.s32 $_scs_section_size  }
0x9a: {  	s5 =	simm.s32 $_size__tile_overlayer_lowered;
	s6 =	simm.s32 $_tile_overlayer_lowered  }
0x9b: {  	s22 =	simm.s32 $0x1BFF;
	s21 =	sshll.u32 s6, $0x1;
	s3 =	sadd.s32 s4, s19  }
0x9c: {  	s7 =	simm.s32 $0x0;
	s20 =	sshll.u32 s5, $0x1;
	s5 =	sadd.s32 s21, s3  }
0x9d: {  	[timem:s7], [sflag:s22] =	dma.local [hbm:s5], s20  }
0x9e: {  	_ =	swait.ge [sflag:s22], s20  }
0x9f: {  	s4 =	ssub.s32 $0x0, s20;
	[sflag:s22] =	ssyncset.done $0x0  }
0xa0: {  	[sflag:s22] =	ssyncadd.s32 s4;
	_ =	sdelay $0x1  }
0xa1: {  	s23 =	simm.s32 $0x1B8B  }
0xa2: {  	_ =	swait.ge [sflag:s23], $0x1  }
0xa3: {  	[sflag:s23] =	ssyncset.done $0x0  }
0xa4: {  	s25 =	simm.s32 $0x1B8E;
	s24 =	sld [smem:$0x3FFE];
	[sflag:s23] =	ssyncadd.s32 $0xFFFFFFFF  }
0xa5: {  	s26 =	simm.s32 $execute0_lowered;
	[smem:$0x3FD2] =	sst s25  }
0xa6: {  	s5 =	sshll.u32 s26, $0x1;
	_ =	strace $0x80000049;
	[dreg:$0x1] =	wrdreg $0xFFFFFFFF  }
0xa7: {  	s28 =	simm.s32 $_size_execute0_lowered;
	s3 =	sadd.s32 s3, s5;
	[dreg:$0x0] =	wrdreg $0x0  }
0xa8: {  	s5 =	sshll.u32 s28, $0x1;
	[dreg:$0x2] =	wrdreg s3  }
0xa9: {  	[dreg:$0x3] =	wrdreg s5  }
0xaa: {  	[dreg:$0x4] =	wrdreg $0xC0  }
0xab: {  	_ =	task [dreg:s7], $0x5FFFF  }
0xac: {  	[dreg:$0x1] =	wrdreg $0xFFFFFFFF  }
0xad: {  	[dreg:$0x0] =	wrdreg $0x60  }
0xae: {  	[dreg:$0x2] =	wrdreg s24  }
0xaf: {  	[dreg:$0x3] =	wrdreg s2  }
0xb0: {  	[dreg:$0x4] =	wrdreg $0x90000  }
0xb1: {  	[dreg:$0x5] =	wrdreg $0x9  }
0xb2: {  	_ =	task.clear_ibuf [dreg:s7], $0x6FFFF;
	_ =	strace $0x90000049  }
0xb3: {  	s29 =	simm.s32 $0x9;
	_ =	strace $0x8000004B  }
0xb4: {  	_ =	swait.ge [sflag:s29], $0x1  }
0xb5: {  	[sflag:s29] =	ssyncadd.s32 $0xFFFFFFFF  }
0xb6: {  	_ =	strace $0x9000004B  }
0xb7: {  	_ =	sfence  }
0xb8: {  	s30 =	sld [smem:$0x0];
	_ =	sdelay $0x2  }
0xb9: {  	s31 =	sshll.u32 s1, $0xD;
	s1 =	sshrl.u32 s1, $0x2  }
0xba: {  	s3 =	sand.u32 $0x4000, s31;
	s1 =	sadd.s32 s1, s30  }
0xbb: {  	s0 =	sor.u32 s3, s0;
	s1 =	sshll.u32 s1, $0x11  }
0xbc: {  	s0 =	sor.u32 s1, s0  }
0xbd: {  	s0 =	sadd.s32 $0x8F2B, s0  }
0xbe: {  	[sflag:s0] =	ssyncadd.remote.s32 $0x1  }
0xbf: {  	_ =	sfence.sel $0xFFFF  }
0xc0: {  	[dreg:$0x0] =	wrdreg $0xFFFFFFFF;
	(pc) =	sbr.abs _section_cstart, $3  }
0xc1: {  	[dreg:$0x1] =	wrdreg $0xFFFFFFFF  }
0xc2: {  	_ =	task.clear_ibuf [dreg:s7], $0x2FFFF;
	_ =	strace $0x9FFFFFFF  }
0xc3: {  	(tm) =	ssettm $0x7FFFFFFF  }
tec
execute0_lowered:
.L_overlay_start_1:
0x0: {  	(tag) =	ssettag $0x1  }
0x1: {  	s5 =	rddreg [dreg:$0x0];
	s1 =	srdreg.scid  }
0x2: {  	s8 =	rddreg [dreg:$0x1];
	s0 =	stileid.u32  }
0x3: {  	s2 =	rddreg [dreg:$0x2];
	s15 =	simm.s32 $0x80;
	s16 =	simm.s32 $0x5000  }
0x4: {  	s17 =	simm.s32 $0x1;
	s19 =	simm.s32 $0x0;
	s4 =	smul.u32 $0x5000, s0  }
0x5: {  	s6 =	sand.u32 $0x1, s1;
	s1 =	rddreg [dreg:$0x3];
	s26 =	smul.u32 $0x14000, s0  }
0x6: {  	s28 =	smul.u32 $0x50000, s0;
	s18 =	sshll.u32 s0, $0x6;
	s3 =	ssub.s32 $0x0, s6  }
0x7: {  	s10 =	smul.u32 $0x140000, s6;
	s6 =	ssub.s32 $0x2, s6;
	s7 =	sand.u32 $0x2800, s3  }
0x8: {  	s3 =	simm.s32 $0x0;
	s12 =	sshrl.u32 s26, $0x3;
	s29 =	sshrl.u32 s6, $0x1  }
0x9: {  	s30 =	sshrl.u32 s28, $0x2;
	s4 =	sadd.s32 s4, s7;
	[smem:$0x7FF] =	sst s3  }
0xa: {  	s7 =	sadd.s32 s26, s10;
	s12 =	sadd.s32 s12, s5;
	s31 =	ssub.s32 s6, s29  }
0xb: {  	s14 =	sadd.s32 s30, s2;
	s6 =	sor.u32 $0x1C02, s18;
	s18 =	sor.u32 $0x1C03, s18  }
0xc: {  	s9 =	sshrl.u32 s4, $0x3;
	_ =	strace $0x8000004A;
	s4 =	sadd.s32 $0xD600, s5  }
0xd: {  	s7 =	sshrl.u32 s7, $0x3;
	s10 =	smax.u32 s31, $0x1;
	s11 =	sadd.s32 s9, s5  }
0xe: {  	s13 =	sadd.s32 s7, s5;
	s5 =	sadd.s32 $0x5D600, s12;
	s8 =	sadd.s32 s8, s9  }
0xf: {  	s12 =	simm.s32 $0x3;
	s7 =	sadd.s32 $0x3600, s11;
	s9 =	sadd.s32 $0x85600, s13  }
0x10: {  	s11 =	sshrl.u32 s14, $0x3;
	s13 =	simm.s32 $0x2800;
	s14 =	simm.s32 $0x2  }
.LBB2_1:
0x11: {  	[spmem:s11], [sflag:s6] =	dma.local [hbm:s5], $0x2800  }
0x12: {  	[tilespmem:s3], [sflag:$0x3] =	stream.linear.gather [hbm4b:s7+s3], $0x2800, $0x38;
	[tilespmem:$0x1D000] =	vst v63  }
0x13: {  	_ =	swait.ge [sflag:s12], $0x2800  }
0x14: {  	[sflag:s12] =	ssyncset.done $0x0  }
0x15: {  	[sflag:s12] =	ssyncadd.s32 $0xFFFFD800  }
0x16: {  	[tilespmem:s13], [sflag:$0x3] =	stream.linear.gather [hbm4b:s8+s3], $0x2800, $0x38;
	[tilespmem:$0x1D000] =	vst v63  }
0x17: {  	_ =	swait.ge [sflag:s12], $0x2800  }
0x18: {  	[sflag:s12] =	ssyncset.done $0x0  }
0x19: {  	[sflag:s12] =	ssyncadd.s32 $0xFFFFD800  }
0x1a: {  	_ =	swait.ge [sflag:s14], $0x2800  }
0x1b: {  	[sflag:s14] =	ssyncset.done $0x0  }
0x1c: {  	[sflag:s14] =	ssyncadd.s32 $0xFFFFD800  }
0x1d: {  	s20 =	simm.s32 $0x0;
	[bflag:$0x0] =	sbarrier.arrive $0xFFFF  }
0x1e: {  	[tilespmem:s16], [sflag:$0x1] =	stream.indirect.gather [hbm4b:s4+s15], $0x80, s20, s15, $0xb8;
	[tilespmem:$0x1D000] =	vst v63  }
0x1f: {  	_ =	swait.ge [sflag:s17], $0x4000  }
0x20: {  	[sflag:s17] =	ssyncset.done $0x0  }
0x21: {  	s31 =	simm.s32 $0x2800;
	[sflag:s17] =	ssyncadd.s32 $0xFFFFC000  }
0x22: {  	[spmem:s2] =	stream.indirect.scatter.add.f32 [tilespmem:s16], [sflag:$0x3], $0x80, s31, s15, $0xb8;
	[tilespmem:$0x1D000] =	vst v63  }
0x23: {  	_ =	swait.ge [sflag:s12], $0x4000  }
0x24: {  	s21 =	simm.s32 $0x400;
	s20 =	simm.s32 $0x200;
	[sflag:s12] =	ssyncset.done $0x0  }
.LBB2_2:
0x25: {  	s22 =	sshra.s32 s20, $0x2  }
0x26: {  	[sflag:s12] =	ssyncadd.s32 $0xFFFFC000;
	s20 =	smov.u32 s21;
	s23 =	sadd.s32 $0x200, s21  }
0x27: {  	[tilespmem:s16], [sflag:$0x1] =	stream.indirect.gather [hbm4b:s4+s15], $0x80, s22, s15, $0xb8;
	[tilespmem:$0x1D000] =	vst v63  }
0x28: {  	p0 =	sne.s32 s21, $0x9E00;
	_ =	swait.ge [sflag:s17], $0x4000  }
.Ltmp0:
0x29: {  	[sflag:s17] =	ssyncset.done $0x0;
	(pc) =	sbr.rel @p0 .LBB2_2-.Ltmp0, $4  }
0x2a: {  	s21 =	sadd.s32 $0x2800, s22;
	[sflag:s17] =	ssyncadd.s32 $0xFFFFC000  }
0x2b: {  	[spmem:s2] =	stream.indirect.scatter.add.f32 [tilespmem:s16], [sflag:$0x3], $0x80, s21, s15, $0xb8;
	[tilespmem:$0x1D000] =	vst v63  }
0x2c: {  	_ =	swait.ge [sflag:s12], $0x4000  }
0x2d: {  	s21 =	smov.u32 s23;
	[sflag:s12] =	ssyncset.done $0x0  }
0x2e: {  	s20 =	sshra.s32 s20, $0x2;
	[sflag:s12] =	ssyncadd.s32 $0xFFFFC000  }
0x2f: {  	[tilespmem:s16], [sflag:$0x1] =	stream.indirect.gather [hbm4b:s4+s15], $0x80, s20, s15, $0xb8;
	[tilespmem:$0x1D000] =	vst v63  }
0x30: {  	_ =	swait.ge [sflag:s17], $0x4000  }
0x31: {  	[sflag:s17] =	ssyncset.done $0x0  }
0x32: {  	s20 =	sadd.s32 $0x2800, s20;
	[sflag:s17] =	ssyncadd.s32 $0xFFFFC000  }
0x33: {  	[spmem:s2] =	stream.indirect.scatter.add.f32 [tilespmem:s16], [sflag:$0x3], $0x80, s20, s15, $0xb8;
	[tilespmem:$0x1D000] =	vst v63  }
0x34: {  	_ =	swait.ge [sflag:s12], $0x4000  }
0x35: {  	s19 =	sadd.s32 $0x1, s19;
	[sflag:s12] =	ssyncset.done $0x0  }
0x36: {  	p0 =	sne.s32 s19, s10;
	[sflag:s12] =	ssyncadd.s32 $0xFFFFC000  }
.Ltmp1:
0x37: {  	[bflag:$0x0] =	sbarrier.arrive $0xFFFF;
	(pc) =	sbr.rel @p0 .LBB2_1-.Ltmp1, $4  }
0x38: {  	[hbm:s9], [sflag:s18] =	dma.local [spmem:s11], $0x2800  }
0x39: {  	_ =	swait.ge [sflag:s12], $0x2800  }
0x3a: {  	[sflag:s12] =	ssyncset.done $0x0  }
0x3b: {  	[sflag:s12] =	ssyncadd.s32 $0xFFFFD800  }
0x3c: {  	_ =	sfence.sel $0x180000  }
0x3d: {  	[bflag:$0x0] =	sbarrier.arrive $0xFFFF  }
0x3e: {  	p0 =	sne.s32 s0, $0x0;
	_ =	strace $0x9000004A  }
0x3f: {  	s0 =	sadd.s32 @!p0 $0x100000, s1;
	[bflag:$0x2] =	sbarrier.arrive $0xFFFF  }
0x40: {  	[sflag:s0] =	ssyncadd.tile.s32 @!p0 $0x1;
	_ =	shalt  }
.Lfunc_end2:
_tile_overlayer_lowered:
.L_overlay_start_2:
0x41: {  	(tag) =	ssettag $0x2  }
0x42: {  	s0 =	rddreg [dreg:$0x0];
	s2 =	stileid.u32  }
0x43: {  	s1 =	rddreg [dreg:$0x1];
	p0 =	sne.s32 s2, $0x0  }
0x44: {  	s3 =	rddreg [dreg:$0x2];
	[bflag:$0x3] =	sbarrier.arrive $0xFFFF;
	s2 =	simm.s32 @!p0 $0x1C03  }
0x45: {  	[timem:s3], [sflag:s2] =	dma.local @!p0 [hbm:s0], s1  }
0x46: {  	s0 =	simm.s32 @!p0 $0x3  }
0x47: {  	_ =	swait.ge @!p0 [sflag:s0], s1  }
0x48: {  	s1 =	ssub.s32 @!p0 $0x0, s1;
	[sflag:s0] =	ssyncset.done @!p0 $0x0  }
0x49: {  	[sflag:s0] =	ssyncadd.s32 @!p0 s1  }
0x4a: {  	[bflag:$0x3] =	sbarrier.arrive $0xFFFF  }
0x4b: {  	_ =	shalt  }

// kernel: kernel.15.cloned.1.call-start
scs
__scs_entry_jumppad:
0x0: {  	(pc) =	sbr.rel $0x88, $3  }
0x1: {  	(tag) =	ssettag $0x0;
	lr =	simm.s32 $0x1  }
0x2: {  	[smem:$0x3F9B] =	sst lr;
	_ =	strace $0xD0000000  }
0x3: {  	_ = 	snop  }
0x4: {  	_ = 	snop  }
0x5: {  	_ = 	snop  }
0x6: {  	_ = 	snop  }
0x7: {  	_ = 	snop  }
__scs_overlays_trampoline_lowered:
0x8: {  	[smem:$0x3FAA] =	sst s0  }
0x9: {  	[smem:$0x3FAB] =	sst s1  }
0xa: {  	[smem:$0x3FAC] =	sst s2  }
0xb: {  	[smem:$0x3FAD] =	sst s3  }
0xc: {  	[smem:$0x3FAE] =	sst s4  }
0xd: {  	[smem:$0x3FAF] =	sst s5  }
0xe: {  	[smem:$0x3FB0] =	sst s6  }
0xf: {  	[smem:$0x3FB1] =	sst s7  }
0x10: {  	[smem:$0x3FB2] =	sst s8  }
0x11: {  	[smem:$0x3FB3] =	sst s9;
	s0 =	simm.s32 @!p0 $0x0  }
0x12: {  	s1 =	sld [smem:$0x3F99];
	s0 =	simm.s32 @p0 $0x1  }
0x13: {  	[smem:$0x3FB4] =	sst s0;
	s0 =	simm.s32 @!p1 $0x0  }
0x14: {  	s2 =	sld [smem:$0x3F98];
	s0 =	simm.s32 @p1 $0x1  }
0x15: {  	[smem:$0x3FB5] =	sst s0;
	s0 =	simm.s32 @!p2 $0x0  }
0x16: {  	s3 =	sld [smem:$0x3FDB];
	s0 =	simm.s32 @p2 $0x1  }
0x17: {  	s4 =	simm.s32 $0x1BF5;
	[smem:$0x3FB7] =	sst s0  }
0x18: {  	s0 =	sld [smem:$0x3F9A];
	_ =	swait.ge [sflag:s4], $0x0  }
0x19: {  	s7 =	sld [smem:$0x3F9B]  }
0x1a: {  	s8 =	sadd.s32 $0xFFFFE003, lr  }
0x1b: {  	s9 =	sadd.s32 $0xFFFFFEF7, lr;
	s5 =	simm.s32 $0xFFFFFFFF;
	p2 =	slt.u32 s8, $0xFFFFF086  }
0x1c: {  	p1 =	slt.u32 s9, $0xF7A;
	s5 =	simm.s32 @!p2 $0x0  }
0x1d: {  	s5 =	simm.s32 @p1 $0x1;
	p0 =	seq.s32 s7, s2  }
0x1e: {  	s7 =	smul.u32 @!p0 $0xF7A, s2;
	p2 =	seq.s32 @!p0 s5, $0x0  }
0x1f: {  	s9 =	smul.u32 $0xF7A, s1;
	s8 =	simm.s32 @!p0 $0x1BF5;
	p2 =	por !p2, p0  }
0x20: {  	[sflag:s8] =	ssyncset.s32 @!p0 $0xFFFFF086;
	s6 =	sadd.s32 @!p0 s3, s7;
	s7 =	simm.s32 @!p0 $0x108  }
0x21: {  	s3 =	sadd.s32 s3, s9;
	s6 =	sadd.s32 @!p0 $0x88, s6;
	s7 =	simm.s32 @p2 $0x1082  }
0x22: {  	[simem:s7], [sflag:s8] =	dma.local @!p0 [hbm:s6], $0xF7A  }
0x23: {  	s9 =	sor.u32 $0xD0000000, s2;
	s6 =	simm.s32 $0x108;
	_ =	swait.ge @!p0 [sflag:s8], $0x0  }
0x24: {  	s3 =	sadd.s32 $0x88, s3;
	s6 =	simm.s32 @!p1 $0x1082;
	[sflag:s4] =	ssyncset.s32 $0xFFFFF086  }
0x25: {  	[simem:s6], [sflag:s4] =	dma.local [hbm:s3], $0xF7A  }
0x26: {  	[smem:$0x3F9B] =	sst s1;
	(tag) =	ssettag s2;
	_ =	strace s9  }
0x27: {  	s1 =	sld [smem:$0x3FAB]  }
0x28: {  	s2 =	sld [smem:$0x3FAC]  }
0x29: {  	s4 =	sld [smem:$0x3FAE]  }
0x2a: {  	p0 =	seq.s32 s5, $0x0;
	s5 =	sld [smem:$0x3FAF]  }
0x2b: {  	s6 =	sld [smem:$0x3FB0]  }
0x2c: {  	s7 =	sld [smem:$0x3FB1]  }
0x2d: {  	s3 =	simm.s32 $0x108;
	s8 =	sld [smem:$0x3FB2]  }
0x2e: {  	s3 =	simm.s32 @!p0 $0x1082;
	s9 =	sld [smem:$0x3FB3]  }
0x2f: {  	lr =	sadd.s32 s0, s3;
	s0 =	sld [smem:$0x3FAA]  }
0x30: {  	s3 =	sld [smem:$0x3FAD]  }
0x31: {  	[smem:$0x3FB6] =	sst s10  }
0x32: {  	s10 =	sld [smem:$0x3FB4];
	_ =	sdelay $0x3  }
0x33: {  	p0 =	seq.s32 s10, $0x1;
	s10 =	sld [smem:$0x3FB6];
	_ =	sdelay $0x3  }
0x34: {  	[smem:$0x3FB6] =	sst s10  }
0x35: {  	s10 =	sld [smem:$0x3FB5];
	_ =	sdelay $0x3  }
0x36: {  	p1 =	seq.s32 s10, $0x1;
	s10 =	sld [smem:$0x3FB6];
	_ =	sdelay $0x3  }
0x37: {  	[smem:$0x3FB6] =	sst s10  }
0x38: {  	s10 =	sld [smem:$0x3FB7]  }
0x39: {  	_ = 	snop;
	(pc) =	sbr.ind lr, $3  }
0x3a: {  	_ = 	snop  }
0x3b: {  	_ = 	snop  }
0x3c: {  	p2 =	seq.s32 s10, $0x1;
	s10 =	sld [smem:$0x3FB6]  }
0x3d: {  	_ =	shalt  }
0x3e: {  	_ =	shalt  }
0x3f: {  	_ =	shalt  }
0x40: {  	_ =	shalt  }
0x41: {  	_ =	shalt  }
0x42: {  	_ =	shalt  }
0x43: {  	_ =	shalt  }
0x44: {  	_ =	shalt  }
0x45: {  	_ =	shalt  }
0x46: {  	_ =	shalt  }
0x47: {  	_ =	shalt  }
0x48: {  	_ =	shalt  }
0x49: {  	_ =	shalt  }
0x4a: {  	_ =	shalt  }
0x4b: {  	_ =	shalt  }
0x4c: {  	_ =	shalt  }
0x4d: {  	_ =	shalt  }
0x4e: {  	_ =	shalt  }
0x4f: {  	_ =	shalt  }
0x50: {  	_ =	shalt  }
0x51: {  	_ =	shalt  }
0x52: {  	_ =	shalt  }
0x53: {  	_ =	shalt  }
0x54: {  	_ =	shalt  }
0x55: {  	_ =	shalt  }
0x56: {  	_ =	shalt  }
0x57: {  	_ =	shalt  }
0x58: {  	_ =	shalt  }
0x59: {  	_ =	shalt  }
0x5a: {  	_ =	shalt  }
0x5b: {  	_ =	shalt  }
0x5c: {  	_ =	shalt  }
0x5d: {  	_ =	shalt  }
0x5e: {  	_ =	shalt  }
0x5f: {  	_ =	shalt  }
0x60: {  	_ =	shalt  }
0x61: {  	_ =	shalt  }
0x62: {  	_ =	shalt  }
0x63: {  	_ =	shalt  }
0x64: {  	_ =	shalt  }
0x65: {  	_ =	shalt  }
0x66: {  	_ =	shalt  }
0x67: {  	_ =	shalt  }
0x68: {  	_ =	shalt  }
0x69: {  	_ =	shalt  }
0x6a: {  	_ =	shalt  }
0x6b: {  	_ =	shalt  }
0x6c: {  	_ =	shalt  }
0x6d: {  	_ =	shalt  }
0x6e: {  	_ =	shalt  }
0x6f: {  	_ =	shalt  }
0x70: {  	_ =	shalt  }
0x71: {  	_ =	shalt  }
0x72: {  	_ =	shalt  }
0x73: {  	_ =	shalt  }
0x74: {  	_ =	shalt  }
0x75: {  	_ =	shalt  }
0x76: {  	_ =	shalt  }
0x77: {  	_ =	shalt  }
0x78: {  	_ =	shalt  }
0x79: {  	_ =	shalt  }
0x7a: {  	_ =	shalt  }
0x7b: {  	_ =	shalt  }
0x7c: {  	_ =	shalt  }
0x7d: {  	_ =	shalt  }
0x7e: {  	_ =	shalt  }
0x7f: {  	_ =	shalt  }
0x80: {  	_ =	shalt  }
0x81: {  	_ =	shalt  }
0x82: {  	_ =	shalt  }
0x83: {  	_ =	shalt  }
0x84: {  	_ =	shalt  }
0x85: {  	_ =	shalt  }
0x86: {  	_ =	shalt  }
0x87: {  	_ =	shalt  }
.Lfunc_end0:
.L_simem_size_0:
called_computation.2_lowered:
.L_overlay_start_0:
0x88: {  	s2 =	sld [smem:$0x3FD9]  }
0x89: {  	s3 =	sld [smem:$0x3FFE];
	_ =	sdelay $0x1  }
0x8a: {  	s1 =	srdreg.scid  }
0x8b: {  	s0 =	sand.u32 $0x1, s1  }
0x8c: {  	s17 =	sshll.u32 s0, $0xA;
	s2 =	sadd.s32 s3, s2  }
0x8d: {  	s2 =	sadd.s32 s2, s17  }
0x8e: {  	[smem:$0x3FC2] =	sst s2  }
0x8f: {  	_ = 	snop  }
0x90: {  	s2 =	sld [smem:$0x3FD0];
	(tm) =	ssettm $0x1  }
0x91: {  	s18 =	sld [smem:$0x3FFB];
	_ =	sdelay $0x3  }
0x92: {  	_ =	strace s18  }
0x93: {  	s3 =	sld [smem:$0x3FFC];
	_ =	sdelay $0x3  }
0x94: {  	_ =	strace s3  }
0x95: {  	s3 =	sld [smem:$0x3FFD];
	_ =	sdelay $0x3  }
0x96: {  	_ =	strace s3  }
0x97: {  	_ =	strace $0x8FFFFFFF  }
0x98: {  	s19 =	sld [smem:$0x3FDB];
	_ =	sdelay $0x1  }
0x99: {  	s4 =	simm.s32 $_scs_section_size  }
0x9a: {  	s5 =	simm.s32 $_size__tile_overlayer_lowered;
	s6 =	simm.s32 $_tile_overlayer_lowered  }
0x9b: {  	s22 =	simm.s32 $0x1BFF;
	s21 =	sshll.u32 s6, $0x1;
	s3 =	sadd.s32 s4, s19  }
0x9c: {  	s7 =	simm.s32 $0x0;
	s20 =	sshll.u32 s5, $0x1;
	s5 =	sadd.s32 s21, s3  }
0x9d: {  	[timem:s7], [sflag:s22] =	dma.local [hbm:s5], s20  }
0x9e: {  	_ =	swait.ge [sflag:s22], s20  }
0x9f: {  	s4 =	ssub.s32 $0x0, s20;
	[sflag:s22] =	ssyncset.done $0x0  }
0xa0: {  	[sflag:s22] =	ssyncadd.s32 s4;
	_ =	sdelay $0x1  }
0xa1: {  	s23 =	simm.s32 $0x1B8B  }
0xa2: {  	_ =	swait.ge [sflag:s23], $0x1  }
0xa3: {  	[sflag:s23] =	ssyncset.done $0x0  }
0xa4: {  	s25 =	simm.s32 $0x1B8E;
	s24 =	sld [smem:$0x3FFE];
	[sflag:s23] =	ssyncadd.s32 $0xFFFFFFFF  }
0xa5: {  	s26 =	simm.s32 $execute0_lowered;
	[smem:$0x3FD2] =	sst s25  }
0xa6: {  	s5 =	sshll.u32 s26, $0x1;
	_ =	strace $0x8000004C;
	[dreg:$0x1] =	wrdreg $0xFFFFFFFF  }
0xa7: {  	s28 =	simm.s32 $_size_execute0_lowered;
	s3 =	sadd.s32 s3, s5;
	[dreg:$0x0] =	wrdreg $0x0  }
0xa8: {  	s5 =	sshll.u32 s28, $0x1;
	[dreg:$0x2] =	wrdreg s3  }
0xa9: {  	[dreg:$0x3] =	wrdreg s5  }
0xaa: {  	[dreg:$0x4] =	wrdreg $0xC0  }
0xab: {  	_ =	task [dreg:s7], $0x5FFFF  }
0xac: {  	[dreg:$0x1] =	wrdreg $0xFFFFFFFF  }
0xad: {  	[dreg:$0x0] =	wrdreg $0x60  }
0xae: {  	[dreg:$0x2] =	wrdreg s24  }
0xaf: {  	[dreg:$0x3] =	wrdreg s2  }
0xb0: {  	[dreg:$0x4] =	wrdreg $0x90000  }
0xb1: {  	[dreg:$0x5] =	wrdreg $0x9  }
0xb2: {  	_ =	task.clear_ibuf [dreg:s7], $0x6FFFF;
	_ =	strace $0x9000004C  }
0xb3: {  	s29 =	simm.s32 $0x9;
	_ =	strace $0x8000004E  }
0xb4: {  	_ =	swait.ge [sflag:s29], $0x1  }
0xb5: {  	[sflag:s29] =	ssyncadd.s32 $0xFFFFFFFF  }
0xb6: {  	_ =	strace $0x9000004E  }
0xb7: {  	_ =	sfence  }
0xb8: {  	s30 =	sld [smem:$0x0];
	_ =	sdelay $0x2  }
0xb9: {  	s31 =	sshll.u32 s1, $0xD;
	s1 =	sshrl.u32 s1, $0x2  }
0xba: {  	s3 =	sand.u32 $0x4000, s31;
	s1 =	sadd.s32 s1, s30  }
0xbb: {  	s0 =	sor.u32 s3, s0;
	s1 =	sshll.u32 s1, $0x11  }
0xbc: {  	s0 =	sor.u32 s1, s0  }
0xbd: {  	s0 =	sadd.s32 $0x8F2B, s0  }
0xbe: {  	[sflag:s0] =	ssyncadd.remote.s32 $0x1  }
0xbf: {  	_ =	sfence.sel $0xFFFF  }
0xc0: {  	[dreg:$0x0] =	wrdreg $0xFFFFFFFF;
	(pc) =	sbr.abs _section_cstart, $3  }
0xc1: {  	[dreg:$0x1] =	wrdreg $0xFFFFFFFF  }
0xc2: {  	_ =	task.clear_ibuf [dreg:s7], $0x2FFFF;
	_ =	strace $0x9FFFFFFF  }
0xc3: {  	(tm) =	ssettm $0x7FFFFFFF  }
tec
execute0_lowered:
.L_overlay_start_1:
0x0: {  	(tag) =	ssettag $0x1  }
0x1: {  	s5 =	rddreg [dreg:$0x0];
	s1 =	srdreg.scid  }
0x2: {  	s8 =	rddreg [dreg:$0x1];
	s0 =	stileid.u32  }
0x3: {  	s2 =	rddreg [dreg:$0x2];
	s15 =	simm.s32 $0x80;
	s16 =	simm.s32 $0x5000  }
0x4: {  	s17 =	simm.s32 $0x1;
	s19 =	simm.s32 $0x0;
	s4 =	smul.u32 $0x5000, s0  }
0x5: {  	s6 =	sand.u32 $0x1, s1;
	s1 =	rddreg [dreg:$0x3];
	s26 =	smul.u32 $0x14000, s0  }
0x6: {  	s28 =	smul.u32 $0x50000, s0;
	s18 =	sshll.u32 s0, $0x6;
	s3 =	ssub.s32 $0x0, s6  }
0x7: {  	s10 =	smul.u32 $0x140000, s6;
	s6 =	ssub.s32 $0x2, s6;
	s7 =	sand.u32 $0x2800, s3  }
0x8: {  	s3 =	simm.s32 $0x0;
	s12 =	sshrl.u32 s26, $0x3;
	s29 =	sshrl.u32 s6, $0x1  }
0x9: {  	s30 =	sshrl.u32 s28, $0x2;
	s4 =	sadd.s32 s4, s7;
	[smem:$0x7FF] =	sst s3  }
0xa: {  	s7 =	sadd.s32 s26, s10;
	s12 =	sadd.s32 s12, s5;
	s31 =	ssub.s32 s6, s29  }
0xb: {  	s14 =	sadd.s32 s30, s2;
	s6 =	sor.u32 $0x1C02, s18;
	s18 =	sor.u32 $0x1C03, s18  }
0xc: {  	s9 =	sshrl.u32 s4, $0x3;
	_ =	strace $0x8000004D;
	s4 =	sadd.s32 $0xD600, s5  }
0xd: {  	s7 =	sshrl.u32 s7, $0x3;
	s10 =	smax.u32 s31, $0x1;
	s11 =	sadd.s32 s9, s5  }
0xe: {  	s13 =	sadd.s32 s7, s5;
	s5 =	sadd.s32 $0x5D600, s12;
	s8 =	sadd.s32 s8, s9  }
0xf: {  	s12 =	simm.s32 $0x3;
	s7 =	sadd.s32 $0x3600, s11;
	s9 =	sadd.s32 $0x85600, s13  }
0x10: {  	s11 =	sshrl.u32 s14, $0x3;
	s13 =	simm.s32 $0x2800;
	s14 =	simm.s32 $0x2  }
.LBB2_1:
0x11: {  	[spmem:s11], [sflag:s6] =	dma.local [hbm:s5], $0x2800  }
0x12: {  	[tilespmem:s3], [sflag:$0x3] =	stream.linear.gather [hbm4b:s7+s3], $0x2800, $0x38;
	[tilespmem:$0x1D000] =	vst v63  }
0x13: {  	_ =	swait.ge [sflag:s12], $0x2800  }
0x14: {  	[sflag:s12] =	ssyncset.done $0x0  }
0x15: {  	[sflag:s12] =	ssyncadd.s32 $0xFFFFD800  }
0x16: {  	[tilespmem:s13], [sflag:$0x3] =	stream.linear.gather [hbm4b:s8+s3], $0x2800, $0x38;
	[tilespmem:$0x1D000] =	vst v63  }
0x17: {  	_ =	swait.ge [sflag:s12], $0x2800  }
0x18: {  	[sflag:s12] =	ssyncset.done $0x0  }
0x19: {  	[sflag:s12] =	ssyncadd.s32 $0xFFFFD800  }
0x1a: {  	_ =	swait.ge [sflag:s14], $0x2800  }
0x1b: {  	[sflag:s14] =	ssyncset.done $0x0  }
0x1c: {  	[sflag:s14] =	ssyncadd.s32 $0xFFFFD800  }
0x1d: {  	s20 =	simm.s32 $0x0;
	[bflag:$0x0] =	sbarrier.arrive $0xFFFF  }
0x1e: {  	[tilespmem:s16], [sflag:$0x1] =	stream.indirect.gather [hbm4b:s4+s15], $0x80, s20, s15, $0xb8;
	[tilespmem:$0x1D000] =	vst v63  }
0x1f: {  	_ =	swait.ge [sflag:s17], $0x4000  }
0x20: {  	[sflag:s17] =	ssyncset.done $0x0  }
0x21: {  	s31 =	simm.s32 $0x2800;
	[sflag:s17] =	ssyncadd.s32 $0xFFFFC000  }
0x22: {  	[spmem:s2] =	stream.indirect.scatter.add.f32 [tilespmem:s16], [sflag:$0x3], $0x80, s31, s15, $0xb8;
	[tilespmem:$0x1D000] =	vst v63  }
0x23: {  	_ =	swait.ge [sflag:s12], $0x4000  }
0x24: {  	s21 =	simm.s32 $0x400;
	s20 =	simm.s32 $0x200;
	[sflag:s12] =	ssyncset.done $0x0  }
.LBB2_2:
0x25: {  	s22 =	sshra.s32 s20, $0x2  }
0x26: {  	[sflag:s12] =	ssyncadd.s32 $0xFFFFC000;
	s20 =	smov.u32 s21;
	s23 =	sadd.s32 $0x200, s21  }
0x27: {  	[tilespmem:s16], [sflag:$0x1] =	stream.indirect.gather [hbm4b:s4+s15], $0x80, s22, s15, $0xb8;
	[tilespmem:$0x1D000] =	vst v63  }
0x28: {  	p0 =	sne.s32 s21, $0x9E00;
	_ =	swait.ge [sflag:s17], $0x4000  }
.Ltmp0:
0x29: {  	[sflag:s17] =	ssyncset.done $0x0;
	(pc) =	sbr.rel @p0 .LBB2_2-.Ltmp0, $4  }
0x2a: {  	s21 =	sadd.s32 $0x2800, s22;
	[sflag:s17] =	ssyncadd.s32 $0xFFFFC000  }
0x2b: {  	[spmem:s2] =	stream.indirect.scatter.add.f32 [tilespmem:s16], [sflag:$0x3], $0x80, s21, s15, $0xb8;
	[tilespmem:$0x1D000] =	vst v63  }
0x2c: {  	_ =	swait.ge [sflag:s12], $0x4000  }
0x2d: {  	s21 =	smov.u32 s23;
	[sflag:s12] =	ssyncset.done $0x0  }
0x2e: {  	s20 =	sshra.s32 s20, $0x2;
	[sflag:s12] =	ssyncadd.s32 $0xFFFFC000  }
0x2f: {  	[tilespmem:s16], [sflag:$0x1] =	stream.indirect.gather [hbm4b:s4+s15], $0x80, s20, s15, $0xb8;
	[tilespmem:$0x1D000] =	vst v63  }
0x30: {  	_ =	swait.ge [sflag:s17], $0x4000  }
0x31: {  	[sflag:s17] =	ssyncset.done $0x0  }
0x32: {  	s20 =	sadd.s32 $0x2800, s20;
	[sflag:s17] =	ssyncadd.s32 $0xFFFFC000  }
0x33: {  	[spmem:s2] =	stream.indirect.scatter.add.f32 [tilespmem:s16], [sflag:$0x3], $0x80, s20, s15, $0xb8;
	[tilespmem:$0x1D000] =	vst v63  }
0x34: {  	_ =	swait.ge [sflag:s12], $0x4000  }
0x35: {  	s19 =	sadd.s32 $0x1, s19;
	[sflag:s12] =	ssyncset.done $0x0  }
0x36: {  	p0 =	sne.s32 s19, s10;
	[sflag:s12] =	ssyncadd.s32 $0xFFFFC000  }
.Ltmp1:
0x37: {  	[bflag:$0x0] =	sbarrier.arrive $0xFFFF;
	(pc) =	sbr.rel @p0 .LBB2_1-.Ltmp1, $4  }
0x38: {  	[hbm:s9], [sflag:s18] =	dma.local [spmem:s11], $0x2800  }
0x39: {  	_ =	swait.ge [sflag:s12], $0x2800  }
0x3a: {  	[sflag:s12] =	ssyncset.done $0x0  }
0x3b: {  	[sflag:s12] =	ssyncadd.s32 $0xFFFFD800  }
0x3c: {  	_ =	sfence.sel $0x180000  }
0x3d: {  	[bflag:$0x0] =	sbarrier.arrive $0xFFFF  }
0x3e: {  	p0 =	sne.s32 s0, $0x0;
	_ =	strace $0x9000004D  }
0x3f: {  	s0 =	sadd.s32 @!p0 $0x100000, s1;
	[bflag:$0x2] =	sbarrier.arrive $0xFFFF  }
0x40: {  	[sflag:s0] =	ssyncadd.tile.s32 @!p0 $0x1;
	_ =	shalt  }
.Lfunc_end2:
_tile_overlayer_lowered:
.L_overlay_start_2:
0x41: {  	(tag) =	ssettag $0x2  }
0x42: {  	s0 =	rddreg [dreg:$0x0];
	s2 =	stileid.u32  }
0x43: {  	s1 =	rddreg [dreg:$0x1];
	p0 =	sne.s32 s2, $0x0  }
0x44: {  	s3 =	rddreg [dreg:$0x2];
	[bflag:$0x3] =	sbarrier.arrive $0xFFFF;
	s2 =	simm.s32 @!p0 $0x1C03  }
0x45: {  	[timem:s3], [sflag:s2] =	dma.local @!p0 [hbm:s0], s1  }
0x46: {  	s0 =	simm.s32 @!p0 $0x3  }
0x47: {  	_ =	swait.ge @!p0 [sflag:s0], s1  }
0x48: {  	s1 =	ssub.s32 @!p0 $0x0, s1;
	[sflag:s0] =	ssyncset.done @!p0 $0x0  }
0x49: {  	[sflag:s0] =	ssyncadd.s32 @!p0 s1  }
0x4a: {  	[bflag:$0x3] =	sbarrier.arrive $0xFFFF  }
0x4b: {  	_ =	shalt  }

// kernel: kernel.9.cloned.1.call-start
scs
__scs_entry_jumppad:
0x0: {  	(pc) =	sbr.rel $0x88, $3  }
0x1: {  	(tag) =	ssettag $0x0;
	lr =	simm.s32 $0x1  }
0x2: {  	[smem:$0x3F9B] =	sst lr;
	_ =	strace $0xD0000000  }
0x3: {  	_ = 	snop  }
0x4: {  	_ = 	snop  }
0x5: {  	_ = 	snop  }
0x6: {  	_ = 	snop  }
0x7: {  	_ = 	snop  }
__scs_overlays_trampoline_lowered:
0x8: {  	[smem:$0x3FAA] =	sst s0  }
0x9: {  	[smem:$0x3FAB] =	sst s1  }
0xa: {  	[smem:$0x3FAC] =	sst s2  }
0xb: {  	[smem:$0x3FAD] =	sst s3  }
0xc: {  	[smem:$0x3FAE] =	sst s4  }
0xd: {  	[smem:$0x3FAF] =	sst s5  }
0xe: {  	[smem:$0x3FB0] =	sst s6  }
0xf: {  	[smem:$0x3FB1] =	sst s7  }
0x10: {  	[smem:$0x3FB2] =	sst s8  }
0x11: {  	[smem:$0x3FB3] =	sst s9;
	s0 =	simm.s32 @!p0 $0x0  }
0x12: {  	s1 =	sld [smem:$0x3F99];
	s0 =	simm.s32 @p0 $0x1  }
0x13: {  	[smem:$0x3FB4] =	sst s0;
	s0 =	simm.s32 @!p1 $0x0  }
0x14: {  	s2 =	sld [smem:$0x3F98];
	s0 =	simm.s32 @p1 $0x1  }
0x15: {  	[smem:$0x3FB5] =	sst s0;
	s0 =	simm.s32 @!p2 $0x0  }
0x16: {  	s3 =	sld [smem:$0x3FDB];
	s0 =	simm.s32 @p2 $0x1  }
0x17: {  	s4 =	simm.s32 $0x1BF5;
	[smem:$0x3FB7] =	sst s0  }
0x18: {  	s0 =	sld [smem:$0x3F9A];
	_ =	swait.ge [sflag:s4], $0x0  }
0x19: {  	s7 =	sld [smem:$0x3F9B]  }
0x1a: {  	s8 =	sadd.s32 $0xFFFFE003, lr  }
0x1b: {  	s9 =	sadd.s32 $0xFFFFFEF7, lr;
	s5 =	simm.s32 $0xFFFFFFFF;
	p2 =	slt.u32 s8, $0xFFFFF086  }
0x1c: {  	p1 =	slt.u32 s9, $0xF7A;
	s5 =	simm.s32 @!p2 $0x0  }
0x1d: {  	s5 =	simm.s32 @p1 $0x1;
	p0 =	seq.s32 s7, s2  }
0x1e: {  	s7 =	smul.u32 @!p0 $0xF7A, s2;
	p2 =	seq.s32 @!p0 s5, $0x0  }
0x1f: {  	s9 =	smul.u32 $0xF7A, s1;
	s8 =	simm.s32 @!p0 $0x1BF5;
	p2 =	por !p2, p0  }
0x20: {  	[sflag:s8] =	ssyncset.s32 @!p0 $0xFFFFF086;
	s6 =	sadd.s32 @!p0 s3, s7;
	s7 =	simm.s32 @!p0 $0x108  }
0x21: {  	s3 =	sadd.s32 s3, s9;
	s6 =	sadd.s32 @!p0 $0x88, s6;
	s7 =	simm.s32 @p2 $0x1082  }
0x22: {  	[simem:s7], [sflag:s8] =	dma.local @!p0 [hbm:s6], $0xF7A  }
0x23: {  	s9 =	sor.u32 $0xD0000000, s2;
	s6 =	simm.s32 $0x108;
	_ =	swait.ge @!p0 [sflag:s8], $0x0  }
0x24: {  	s3 =	sadd.s32 $0x88, s3;
	s6 =	simm.s32 @!p1 $0x1082;
	[sflag:s4] =	ssyncset.s32 $0xFFFFF086  }
0x25: {  	[simem:s6], [sflag:s4] =	dma.local [hbm:s3], $0xF7A  }
0x26: {  	[smem:$0x3F9B] =	sst s1;
	(tag) =	ssettag s2;
	_ =	strace s9  }
0x27: {  	s1 =	sld [smem:$0x3FAB]  }
0x28: {  	s2 =	sld [smem:$0x3FAC]  }
0x29: {  	s4 =	sld [smem:$0x3FAE]  }
0x2a: {  	p0 =	seq.s32 s5, $0x0;
	s5 =	sld [smem:$0x3FAF]  }
0x2b: {  	s6 =	sld [smem:$0x3FB0]  }
0x2c: {  	s7 =	sld [smem:$0x3FB1]  }
0x2d: {  	s3 =	simm.s32 $0x108;
	s8 =	sld [smem:$0x3FB2]  }
0x2e: {  	s3 =	simm.s32 @!p0 $0x1082;
	s9 =	sld [smem:$0x3FB3]  }
0x2f: {  	lr =	sadd.s32 s0, s3;
	s0 =	sld [smem:$0x3FAA]  }
0x30: {  	s3 =	sld [smem:$0x3FAD]  }
0x31: {  	[smem:$0x3FB6] =	sst s10  }
0x32: {  	s10 =	sld [smem:$0x3FB4];
	_ =	sdelay $0x3  }
0x33: {  	p0 =	seq.s32 s10, $0x1;
	s10 =	sld [smem:$0x3FB6];
	_ =	sdelay $0x3  }
0x34: {  	[smem:$0x3FB6] =	sst s10  }
0x35: {  	s10 =	sld [smem:$0x3FB5];
	_ =	sdelay $0x3  }
0x36: {  	p1 =	seq.s32 s10, $0x1;
	s10 =	sld [smem:$0x3FB6];
	_ =	sdelay $0x3  }
0x37: {  	[smem:$0x3FB6] =	sst s10  }
0x38: {  	s10 =	sld [smem:$0x3FB7]  }
0x39: {  	_ = 	snop;
	(pc) =	sbr.ind lr, $3  }
0x3a: {  	_ = 	snop  }
0x3b: {  	_ = 	snop  }
0x3c: {  	p2 =	seq.s32 s10, $0x1;
	s10 =	sld [smem:$0x3FB6]  }
0x3d: {  	_ =	shalt  }
0x3e: {  	_ =	shalt  }
0x3f: {  	_ =	shalt  }
0x40: {  	_ =	shalt  }
0x41: {  	_ =	shalt  }
0x42: {  	_ =	shalt  }
0x43: {  	_ =	shalt  }
0x44: {  	_ =	shalt  }
0x45: {  	_ =	shalt  }
0x46: {  	_ =	shalt  }
0x47: {  	_ =	shalt  }
0x48: {  	_ =	shalt  }
0x49: {  	_ =	shalt  }
0x4a: {  	_ =	shalt  }
0x4b: {  	_ =	shalt  }
0x4c: {  	_ =	shalt  }
0x4d: {  	_ =	shalt  }
0x4e: {  	_ =	shalt  }
0x4f: {  	_ =	shalt  }
0x50: {  	_ =	shalt  }
0x51: {  	_ =	shalt  }
0x52: {  	_ =	shalt  }
0x53: {  	_ =	shalt  }
0x54: {  	_ =	shalt  }
0x55: {  	_ =	shalt  }
0x56: {  	_ =	shalt  }
0x57: {  	_ =	shalt  }
0x58: {  	_ =	shalt  }
0x59: {  	_ =	shalt  }
0x5a: {  	_ =	shalt  }
0x5b: {  	_ =	shalt  }
0x5c: {  	_ =	shalt  }
0x5d: {  	_ =	shalt  }
0x5e: {  	_ =	shalt  }
0x5f: {  	_ =	shalt  }
0x60: {  	_ =	shalt  }
0x61: {  	_ =	shalt  }
0x62: {  	_ =	shalt  }
0x63: {  	_ =	shalt  }
0x64: {  	_ =	shalt  }
0x65: {  	_ =	shalt  }
0x66: {  	_ =	shalt  }
0x67: {  	_ =	shalt  }
0x68: {  	_ =	shalt  }
0x69: {  	_ =	shalt  }
0x6a: {  	_ =	shalt  }
0x6b: {  	_ =	shalt  }
0x6c: {  	_ =	shalt  }
0x6d: {  	_ =	shalt  }
0x6e: {  	_ =	shalt  }
0x6f: {  	_ =	shalt  }
0x70: {  	_ =	shalt  }
0x71: {  	_ =	shalt  }
0x72: {  	_ =	shalt  }
0x73: {  	_ =	shalt  }
0x74: {  	_ =	shalt  }
0x75: {  	_ =	shalt  }
0x76: {  	_ =	shalt  }
0x77: {  	_ =	shalt  }
0x78: {  	_ =	shalt  }
0x79: {  	_ =	shalt  }
0x7a: {  	_ =	shalt  }
0x7b: {  	_ =	shalt  }
0x7c: {  	_ =	shalt  }
0x7d: {  	_ =	shalt  }
0x7e: {  	_ =	shalt  }
0x7f: {  	_ =	shalt  }
0x80: {  	_ =	shalt  }
0x81: {  	_ =	shalt  }
0x82: {  	_ =	shalt  }
0x83: {  	_ =	shalt  }
0x84: {  	_ =	shalt  }
0x85: {  	_ =	shalt  }
0x86: {  	_ =	shalt  }
0x87: {  	_ =	shalt  }
.Lfunc_end0:
.L_simem_size_0:
called_computation_lowered:
.L_overlay_start_0:
0x88: {  	s2 =	sld [smem:$0x3FD9]  }
0x89: {  	s3 =	sld [smem:$0x3FFE];
	_ =	sdelay $0x1  }
0x8a: {  	s1 =	srdreg.scid  }
0x8b: {  	s0 =	sand.u32 $0x1, s1  }
0x8c: {  	s17 =	sshll.u32 s0, $0xA;
	s2 =	sadd.s32 s3, s2  }
0x8d: {  	s2 =	sadd.s32 s2, s17  }
0x8e: {  	[smem:$0x3FC2] =	sst s2  }
0x8f: {  	_ = 	snop  }
0x90: {  	s2 =	sld [smem:$0x3FD0];
	(tm) =	ssettm $0x1  }
0x91: {  	s18 =	sld [smem:$0x3FFB];
	_ =	sdelay $0x3  }
0x92: {  	_ =	strace s18  }
0x93: {  	s3 =	sld [smem:$0x3FFC];
	_ =	sdelay $0x3  }
0x94: {  	_ =	strace s3  }
0x95: {  	s3 =	sld [smem:$0x3FFD];
	_ =	sdelay $0x3  }
0x96: {  	_ =	strace s3  }
0x97: {  	_ =	strace $0x8FFFFFFF  }
0x98: {  	s19 =	sld [smem:$0x3FDB];
	_ =	sdelay $0x1  }
0x99: {  	s4 =	simm.s32 $_scs_section_size  }
0x9a: {  	s5 =	simm.s32 $_size__tile_overlayer_lowered;
	s6 =	simm.s32 $_tile_overlayer_lowered  }
0x9b: {  	s22 =	simm.s32 $0x1BFF;
	s21 =	sshll.u32 s6, $0x1;
	s3 =	sadd.s32 s4, s19  }
0x9c: {  	s7 =	simm.s32 $0x0;
	s20 =	sshll.u32 s5, $0x1;
	s5 =	sadd.s32 s21, s3  }
0x9d: {  	[timem:s7], [sflag:s22] =	dma.local [hbm:s5], s20  }
0x9e: {  	_ =	swait.ge [sflag:s22], s20  }
0x9f: {  	s4 =	ssub.s32 $0x0, s20;
	[sflag:s22] =	ssyncset.done $0x0  }
0xa0: {  	[sflag:s22] =	ssyncadd.s32 s4;
	_ =	sdelay $0x1  }
0xa1: {  	s23 =	simm.s32 $0x1B8B  }
0xa2: {  	_ =	swait.ge [sflag:s23], $0x1  }
0xa3: {  	[sflag:s23] =	ssyncset.done $0x0  }
0xa4: {  	s25 =	simm.s32 $0x1B8E;
	s24 =	sld [smem:$0x3FFE];
	[sflag:s23] =	ssyncadd.s32 $0xFFFFFFFF  }
0xa5: {  	s26 =	simm.s32 $execute0_lowered;
	[smem:$0x3FD2] =	sst s25  }
0xa6: {  	s5 =	sshll.u32 s26, $0x1;
	_ =	strace $0x80000046;
	[dreg:$0x1] =	wrdreg $0xFFFFFFFF  }
0xa7: {  	s28 =	simm.s32 $_size_execute0_lowered;
	s3 =	sadd.s32 s3, s5;
	[dreg:$0x0] =	wrdreg $0x0  }
0xa8: {  	s5 =	sshll.u32 s28, $0x1;
	[dreg:$0x2] =	wrdreg s3  }
0xa9: {  	[dreg:$0x3] =	wrdreg s5  }
0xaa: {  	[dreg:$0x4] =	wrdreg $0xC0  }
0xab: {  	_ =	task [dreg:s7], $0x5FFFF  }
0xac: {  	[dreg:$0x1] =	wrdreg $0xFFFFFFFF  }
0xad: {  	[dreg:$0x0] =	wrdreg $0x60  }
0xae: {  	[dreg:$0x2] =	wrdreg s2  }
0xaf: {  	[dreg:$0x3] =	wrdreg s24  }
0xb0: {  	[dreg:$0x4] =	wrdreg $0x2B000  }
0xb1: {  	[dreg:$0x5] =	wrdreg $0x9  }
0xb2: {  	_ =	task.clear_ibuf [dreg:s7], $0x6FFFF;
	_ =	strace $0x90000046  }
0xb3: {  	s29 =	simm.s32 $0x9;
	_ =	strace $0x80000048  }
0xb4: {  	_ =	swait.ge [sflag:s29], $0x1  }
0xb5: {  	[sflag:s29] =	ssyncadd.s32 $0xFFFFFFFF  }
0xb6: {  	_ =	strace $0x90000048  }
0xb7: {  	_ =	sfence  }
0xb8: {  	s30 =	sld [smem:$0x0];
	_ =	sdelay $0x2  }
0xb9: {  	s31 =	sshll.u32 s1, $0xD;
	s1 =	sshrl.u32 s1, $0x2  }
0xba: {  	s3 =	sand.u32 $0x4000, s31;
	s1 =	sadd.s32 s1, s30  }
0xbb: {  	s0 =	sor.u32 s3, s0;
	s1 =	sshll.u32 s1, $0x11  }
0xbc: {  	s0 =	sor.u32 s1, s0  }
0xbd: {  	s0 =	sadd.s32 $0x8F2B, s0  }
0xbe: {  	[sflag:s0] =	ssyncadd.remote.s32 $0x1  }
0xbf: {  	_ =	sfence.sel $0xFFFF  }
0xc0: {  	[dreg:$0x0] =	wrdreg $0xFFFFFFFF;
	(pc) =	sbr.abs _section_cstart, $3  }
0xc1: {  	[dreg:$0x1] =	wrdreg $0xFFFFFFFF  }
0xc2: {  	_ =	task.clear_ibuf [dreg:s7], $0x2FFFF;
	_ =	strace $0x9FFFFFFF  }
0xc3: {  	(tm) =	ssettm $0x7FFFFFFF  }
tec
execute0_lowered:
.L_overlay_start_1:
0x0: {  	(tag) =	ssettag $0x1  }
0x1: {  	s4 =	rddreg [dreg:$0x0]  }
0x2: {  	s5 =	rddreg [dreg:$0x1]  }
0x3: {  	s2 =	rddreg [dreg:$0x2]  }
0x4: {  	s0 =	rddreg [dreg:$0x3];
	s3 =	simm.s32 $0x0;
	s6 =	srdreg.scid  }
0x5: {  	s1 =	stileid.u32;
	s11 =	simm.s32 $0x2800;
	s14 =	simm.s32 $0x20  }
0x6: {  	s15 =	simm.s32 $0x10;
	s16 =	simm.s32 $0x0;
	s7 =	smul.u32 $0x500, s1  }
0x7: {  	[smem:$0x7FF] =	sst s3;
	s6 =	sand.u32 $0x1, s6;
	s9 =	smul.u32 $0x5000, s1  }
0x8: {  	s10 =	smul.u32 $0xA00, s1;
	s12 =	sshll.u32 s1, $0x6;
	_ =	strace $0x80000047  }
0x9: {  	s8 =	sshll.u32 s6, $0x7;
	s26 =	ssub.s32 $0x0, s6;
	s28 =	ssub.s32 $0x2, s6  }
0xa: {  	s12 =	sor.u32 $0x1C01, s12;
	s7 =	sor.u32 s8, s7;
	s8 =	sand.u32 $0x2800, s26  }
0xb: {  	s30 =	sshrl.u32 s28, $0x1;
	s31 =	sshrl.u32 s10, $0x2;
	s10 =	simm.s32 $0x80  }
0xc: {  	s7 =	sshrl.u32 s7, $0x3;
	s29 =	sadd.s32 s9, s8;
	s8 =	ssub.s32 s28, s30  }
0xd: {  	s9 =	simm.s32 $0x2880;
	s7 =	sadd.s32 s7, s5;
	s6 =	sshrl.u32 s29, $0x3  }
0xe: {  	s5 =	sadd.s32 s31, s2;
	s4 =	sadd.s32 s4, s6;
	s6 =	sadd.s32 $0xD600, s7  }
0xf: {  	v0 =	vimm.f32 $1.000000000e+00;
	v1 =	vimm.f32 $0.0e+00;
	s7 =	smax.u32 s8, $0x1;
	s8 =	simm.s32 $0x1;
	s13 =	sshrl.u32 s5, $0x3  }
.LBB2_1:
0x10: {  	[tilespmem:s3], [sflag:$0x1] =	stream.linear.gather [hbm4b:s4+s3], $0x2800, $0x38;
	[tilespmem:$0x2D80] =	vst v63  }
0x11: {  	_ =	swait.ge [sflag:s8], $0x2800  }
0x12: {  	[sflag:s8] =	ssyncset.done $0x0  }
0x13: {  	[sflag:s8] =	ssyncadd.s32 $0xFFFFD800  }
0x14: {  	[tilespmem:$0x2800] =	vst v0  }
0x15: {  	[tilespmem:$0x2810] =	vst v0  }
0x16: {  	[tilespmem:$0x2820] =	vst v0  }
0x17: {  	[tilespmem:$0x2830] =	vst v0  }
0x18: {  	[tilespmem:$0x2840] =	vst v0  }
0x19: {  	[tilespmem:$0x2850] =	vst v0  }
0x1a: {  	[tilespmem:$0x2860] =	vst v0  }
0x1b: {  	[tilespmem:$0x2870] =	vst v0  }
0x1c: {  	[tilespmem:$0x2880] =	vst v1  }
0x1d: {  	[tilespmem:$0x2890] =	vst v1  }
0x1e: {  	[tilespmem:$0x28A0] =	vst v1  }
0x1f: {  	[tilespmem:$0x28B0] =	vst v1  }
0x20: {  	[tilespmem:$0x28C0] =	vst v1  }
0x21: {  	[tilespmem:$0x28D0] =	vst v1  }
0x22: {  	[tilespmem:$0x28E0] =	vst v1  }
0x23: {  	[tilespmem:$0x28F0] =	vst v1  }
0x24: {  	[tilespmem:$0x2900] =	vst v1  }
0x25: {  	[tilespmem:$0x2910] =	vst v1  }
0x26: {  	[tilespmem:$0x2920] =	vst v1  }
0x27: {  	[tilespmem:$0x2930] =	vst v1  }
0x28: {  	[tilespmem:$0x2940] =	vst v1  }
0x29: {  	[tilespmem:$0x2950] =	vst v1  }
0x2a: {  	[tilespmem:$0x2960] =	vst v1  }
0x2b: {  	[tilespmem:$0x2970] =	vst v1  }
0x2c: {  	[tilespmem:$0x2980] =	vst v1  }
0x2d: {  	[tilespmem:$0x2990] =	vst v1  }
0x2e: {  	[tilespmem:$0x29A0] =	vst v1  }
0x2f: {  	[tilespmem:$0x29B0] =	vst v1  }
0x30: {  	[tilespmem:$0x29C0] =	vst v1  }
0x31: {  	[tilespmem:$0x29D0] =	vst v1  }
0x32: {  	[tilespmem:$0x29E0] =	vst v1  }
0x33: {  	[tilespmem:$0x29F0] =	vst v1  }
0x34: {  	[tilespmem:$0x2A00] =	vst v1  }
0x35: {  	[tilespmem:$0x2A10] =	vst v1  }
0x36: {  	[tilespmem:$0x2A20] =	vst v1  }
0x37: {  	[tilespmem:$0x2A30] =	vst v1  }
0x38: {  	[tilespmem:$0x2A40] =	vst v1  }
0x39: {  	[tilespmem:$0x2A50] =	vst v1  }
0x3a: {  	[tilespmem:$0x2A60] =	vst v1  }
0x3b: {  	[tilespmem:$0x2A70] =	vst v1  }
0x3c: {  	[tilespmem:$0x2A80] =	vst v1  }
0x3d: {  	[tilespmem:$0x2A90] =	vst v1  }
0x3e: {  	[tilespmem:$0x2AA0] =	vst v1  }
0x3f: {  	[tilespmem:$0x2AB0] =	vst v1  }
0x40: {  	[tilespmem:$0x2AC0] =	vst v1  }
0x41: {  	[tilespmem:$0x2AD0] =	vst v1  }
0x42: {  	[tilespmem:$0x2AE0] =	vst v1  }
0x43: {  	[tilespmem:$0x2AF0] =	vst v1  }
0x44: {  	[spmem:s5] =	stream.linear.scatter [tilespmem:s9], [sflag:$0x1], $0x280, $0x38;
	[tilespmem:$0x2D80] =	vst v63  }
0x45: {  	_ =	swait.ge [sflag:s8], $0x280  }
0x46: {  	[sflag:s8] =	ssyncset.done $0x0  }
0x47: {  	[sflag:s8] =	ssyncadd.s32 $0xFFFFFD80  }
0x48: {  	s17 =	simm.s32 $0x0;
	[bflag:$0x0] =	sbarrier.arrive $0xFFFF  }
0x49: {  	[spmem:s2] =	stream.indirect.scatter.add.f32 [tilespmem:s11], [sflag:$0x1], $0x1, s17, s10, $0xb8;
	[tilespmem:$0x2D80] =	vst v63  }
0x4a: {  	_ =	swait.ge [sflag:s8], $0x80  }
0x4b: {  	s17 =	simm.s32 $0x200;
	[sflag:s8] =	ssyncset.done $0x0  }
.LBB2_2:
0x4c: {  	s18 =	sshra.s32 s17, $0x2;
	[sflag:s8] =	ssyncadd.s32 $0xFFFFFF80;
	p0 =	sne.s32 s17, $0x9E00  }
0x4d: {  	[spmem:s2] =	stream.indirect.scatter.add.f32 [tilespmem:s11], [sflag:$0x1], $0x1, s18, s10, $0xb8;
	[tilespmem:$0x2D80] =	vst v63  }
.Ltmp0:
0x4e: {  	_ = 	snop;
	(pc) =	sbr.rel @p0 .LBB2_2-.Ltmp0, $4  }
0x4f: {  	_ = 	snop  }
0x50: {  	s17 =	sadd.s32 $0x200, s17  }
0x51: {  	_ =	swait.ge [sflag:s8], $0x80  }
0x52: {  	[sflag:s8] =	ssyncset.done $0x0  }
0x53: {  	s16 =	sadd.s32 $0x1, s16  }
0x54: {  	[sflag:s8] =	ssyncadd.s32 $0xFFFFFF80;
	p0 =	sne.s32 s16, s7  }
.Ltmp1:
0x55: {  	[bflag:$0x0] =	sbarrier.arrive $0xFFFF;
	(pc) =	sbr.rel @p0 .LBB2_1-.Ltmp1, $4  }
0x56: {  	[hbm:s6@s14], [sflag:s12] =	dma.strided [spmem:s13@s15], $0x50, s8, $0x10   }
0x57: {  	_ =	swait.ge [sflag:s8], $0x50  }
0x58: {  	[sflag:s8] =	ssyncset.done $0x0  }
0x59: {  	[sflag:s8] =	ssyncadd.s32 $0xFFFFFFB0  }
0x5a: {  	_ =	sfence.sel $0x180000  }
0x5b: {  	[bflag:$0x0] =	sbarrier.arrive $0xFFFF  }
0x5c: {  	p0 =	sne.s32 s1, $0x0;
	_ =	strace $0x90000047  }
0x5d: {  	s0 =	sadd.s32 @!p0 $0x100000, s0;
	[bflag:$0x2] =	sbarrier.arrive $0xFFFF  }
0x5e: {  	[sflag:s0] =	ssyncadd.tile.s32 @!p0 $0x1;
	_ =	shalt  }
.Lfunc_end2:
_tile_overlayer_lowered:
.L_overlay_start_2:
0x5f: {  	(tag) =	ssettag $0x2  }
0x60: {  	s0 =	rddreg [dreg:$0x0];
	s2 =	stileid.u32  }
0x61: {  	s1 =	rddreg [dreg:$0x1];
	p0 =	sne.s32 s2, $0x0  }
0x62: {  	s3 =	rddreg [dreg:$0x2];
	[bflag:$0x3] =	sbarrier.arrive $0xFFFF;
	s2 =	simm.s32 @!p0 $0x1C01  }
0x63: {  	[timem:s3], [sflag:s2] =	dma.local @!p0 [hbm:s0], s1  }
0x64: {  	s0 =	simm.s32 @!p0 $0x1  }
0x65: {  	_ =	swait.ge @!p0 [sflag:s0], s1  }
0x66: {  	s1 =	ssub.s32 @!p0 $0x0, s1;
	[sflag:s0] =	ssyncset.done @!p0 $0x0  }
0x67: {  	[sflag:s0] =	ssyncadd.s32 @!p0 s1  }
0x68: {  	[bflag:$0x3] =	sbarrier.arrive $0xFFFF  }
0x69: {  	_ =	shalt  }

</sc_bundles>
